<compile_context>
chip_gen: v7x
topology: tpu7x:2x2x1
jax: 0.10.2.dev20260603
libtpu: 0.0.44.dev20260713+nightly
codegen_flags: <defaults>
</compile_context>

<pallas_src>
import functools

import jax
import jax.numpy as jnp
from jax import lax
from jax.experimental import pallas as pl
from jax.experimental.pallas import tpu as pltpu
from jax.experimental.pallas import tpu_sc as plsc

N = 10000
E = 160000
D = 256
G = 32
EPS = 1e-5

N_PAD = 10240
PAD_ROWS = N_PAD - N
E_PAD = 163840
CHUNK = 128
DEG_CHUNKS = E_PAD // (32 * CHUNK)
AGG_CHUNKS = E_PAD // (16 * CHUNK)
AGG_HALF = AGG_CHUNKS // 2
FEAT = 128
ROWS_PER_SUB = N_PAD // 16

def _deg_body(dst_hbm, zeros_hbm, out_hbm, idx_v, ones_v, deg_sp):
    c = lax.axis_index("c")
    s = lax.axis_index("s")
    wid = s * 2 + c
    pltpu.sync_copy(zeros_hbm.at[pl.ds(s * ROWS_PER_SUB, ROWS_PER_SUB)],
                    deg_sp.at[pl.ds(s * ROWS_PER_SUB, ROWS_PER_SUB)])
    for i in range(CHUNK // 16):
        ones_v[pl.ds(i * 16, 16)] = jnp.ones((16,), jnp.float32)
    pltpu.sync_copy(dst_hbm.at[wid], idx_v)
    plsc.subcore_barrier()

    def step(j, _):
        pltpu.sync_copy(ones_v, deg_sp.at[idx_v.at[j]], add=True)
        return _

    lax.fori_loop(0, DEG_CHUNKS, step, None)
    plsc.subcore_barrier()
    pltpu.sync_copy(deg_sp.at[pl.ds(s * ROWS_PER_SUB, ROWS_PER_SUB)],
                    out_hbm.at[c, pl.ds(s * ROWS_PER_SUB, ROWS_PER_SUB)])


@functools.cache
def _sc_mesh():
    return plsc.VectorSubcoreMesh(core_axis_name="c", subcore_axis_name="s",
                                  num_cores=2, num_subcores=16)


@functools.cache
def _make_deg_kernel():
    return pl.kernel(
        _deg_body,
        out_type=jax.ShapeDtypeStruct((2, N_PAD), jnp.float32),
        mesh=_sc_mesh(),
        scratch_types=[
            pltpu.VMEM((DEG_CHUNKS, CHUNK), jnp.int32),
            pltpu.VMEM((CHUNK,), jnp.float32),
            pltpu.VMEM_SHARED((N_PAD,), jnp.float32),
        ],
    )


def _deg_kernel(dst_deg, zeros_hbm):
    return _make_deg_kernel()(dst_deg, zeros_hbm)


def _agg_body(h_hbm, src_hbm, dst_hbm, out_hbm, src_v, dst_v, rows0, rows1,
              sem0, sem1, agg_sp):
    c = lax.axis_index("c")
    s = lax.axis_index("s")
    base = c * N_PAD + s * ROWS_PER_SUB
    pltpu.sync_copy(h_hbm.at[pl.ds(base, ROWS_PER_SUB)],
                    agg_sp.at[pl.ds(s * ROWS_PER_SUB, ROWS_PER_SUB)])
    plsc.subcore_barrier()

    def _gather(j, buf, sem):
        return pltpu.async_copy(h_hbm.at[src_v.at[j]], buf, sem)

    def _drain(j, buf, sem):
        pltpu.make_async_copy(h_hbm.at[src_v.at[j]], buf, sem).wait()

    for half in range(2):
        pltpu.sync_copy(src_hbm.at[c, s, pl.ds(half * AGG_HALF, AGG_HALF)],
                        src_v)
        pltpu.sync_copy(dst_hbm.at[s, pl.ds(half * AGG_HALF, AGG_HALF)],
                        dst_v)
        _gather(0, rows0, sem0)

        def pair(t, _):
            j = t * 2
            _gather(j + 1, rows1, sem1)
            _drain(j, rows0, sem0)
            pltpu.sync_copy(rows0, agg_sp.at[dst_v.at[j]], add=True)
            _gather(j + 2, rows0, sem0)
            _drain(j + 1, rows1, sem1)
            pltpu.sync_copy(rows1, agg_sp.at[dst_v.at[j + 1]], add=True)
            return _

        lax.fori_loop(0, AGG_HALF // 2 - 1, pair, None)
        j = AGG_HALF - 2
        _gather(j + 1, rows1, sem1)
        _drain(j, rows0, sem0)
        pltpu.sync_copy(rows0, agg_sp.at[dst_v.at[j]], add=True)
        _drain(j + 1, rows1, sem1)
        pltpu.sync_copy(rows1, agg_sp.at[dst_v.at[j + 1]], add=True)

    plsc.subcore_barrier()
    pltpu.sync_copy(agg_sp.at[pl.ds(s * ROWS_PER_SUB, ROWS_PER_SUB)],
                    out_hbm.at[c, pl.ds(s * ROWS_PER_SUB, ROWS_PER_SUB)])


@functools.cache
def _make_agg_kernel():
    return pl.kernel(
        _agg_body,
        out_type=jax.ShapeDtypeStruct((2, N_PAD, FEAT), jnp.float32),
        mesh=_sc_mesh(),
        scratch_types=[
            pltpu.VMEM((AGG_HALF, CHUNK), jnp.int32),
            pltpu.VMEM((AGG_HALF, CHUNK), jnp.int32),
            pltpu.VMEM((CHUNK, FEAT), jnp.float32),
            pltpu.VMEM((CHUNK, FEAT), jnp.float32),
            pltpu.SemaphoreType.DMA,
            pltpu.SemaphoreType.DMA,
            pltpu.VMEM_SHARED((N_PAD, FEAT), jnp.float32),
        ],
    )


def _agg_kernel(h_flat, src3, dst3):
    return _make_agg_kernel()(h_flat, src3, dst3)


_LBLK = 2048


def _lin_body(x_ref, w_ref, degA_ref, degB_ref, h_ref, dinv_ref):
    deg = degA_ref[0, 0] + degB_ref[0, 0] + 1.0
    dinv = lax.rsqrt(deg)
    h = jnp.dot(x_ref[...], w_ref[...], preferred_element_type=jnp.float32)
    h = h * dinv[:, None]
    h_ref[0] = h[:, :FEAT]
    h_ref[1] = h[:, FEAT:]
    dinv_ref[0, 0] = dinv


def _lin(x_pad, W, degA, degB):
    nb = N_PAD // _LBLK
    return pl.pallas_call(
        _lin_body,
        grid=(nb,),
        in_specs=[
            pl.BlockSpec((_LBLK, D), lambda i: (i, 0)),
            pl.BlockSpec((D, D), lambda i: (0, 0)),
            pl.BlockSpec((1, 1, _LBLK), lambda i: (i, 0, 0)),
            pl.BlockSpec((1, 1, _LBLK), lambda i: (i, 0, 0)),
        ],
        out_specs=[
            pl.BlockSpec((2, _LBLK, FEAT), lambda i: (0, i, 0)),
            pl.BlockSpec((1, 1, _LBLK), lambda i: (i, 0, 0)),
        ],
        out_shape=[
            jax.ShapeDtypeStruct((2, N_PAD, FEAT), jnp.float32),
            jax.ShapeDtypeStruct((nb, 1, _LBLK), jnp.float32),
        ],
    )(x_pad, W, degA, degB)


_ABLK = 2048
_BBLK = 2000
_NBA = N_PAD // _ABLK
_NBB = N // _BBLK


def _fused_body(agg_ref, dinv_ref, b_ref, batchA_ref, batchB_ref, w_ref,
                bias_ref, a_ref, x_ref, out_ref, gcn_s, s1_s, s2_s, cnt_s):
    i = pl.program_id(0)

    @pl.when(i < _NBA)
    def _phase_a():
        a = agg_ref[...]
        gcn = jnp.concatenate([a[0], a[1]], axis=1)
        gcn = gcn * dinv_ref[0, 0][:, None] + b_ref[...]
        gcn_s[pl.ds(i * _ABLK, _ABLK), :] = gcn
        bt = batchA_ref[0, 0]
        oh = (lax.broadcasted_iota(jnp.int32, (G, _ABLK), 0)
              == bt[None, :]).astype(jnp.float32)
        s1 = jnp.dot(oh, gcn, preferred_element_type=jnp.float32)
        s2 = jnp.dot(oh, gcn * gcn, preferred_element_type=jnp.float32)
        cn = jnp.dot(oh, jnp.ones((_ABLK, 128), jnp.float32),
                     preferred_element_type=jnp.float32)
        @pl.when(i == 0)
        def _():
            s1_s[...] = s1
            s2_s[...] = s2
            cnt_s[...] = cn

        @pl.when(i > 0)
        def _():
            s1_s[...] += s1
            s2_s[...] += s2
            cnt_s[...] += cn

    @pl.when(i >= _NBA)
    def _phase_b():
        cnt = jnp.maximum(cnt_s[...][:, :1], 1.0)
        inv_cnt = 1.0 / cnt
        m = s1_s[...] * inv_cnt
        q = s2_s[...] * inv_cnt
        a = a_ref[...]
        var = q + m * m * (a * a - 2.0 * a)
        inv_std = lax.rsqrt(var + EPS)
        m_scaled = m * a
        bt = batchB_ref[0, 0]
        oh = (bt[:, None] == lax.broadcasted_iota(
            jnp.int32, (_BBLK, G), 1)).astype(jnp.float32)
        mean_rows = jnp.dot(oh, m_scaled, preferred_element_type=jnp.float32)
        scale_rows = jnp.dot(oh, inv_std, preferred_element_type=jnp.float32)
        gcn = gcn_s[pl.ds((i - _NBA) * _BBLK, _BBLK), :]
        y = (gcn - mean_rows) * scale_rows * w_ref[...] + bias_ref[...]
        out_ref[...] = jnp.maximum(y, 0.0) + x_ref[...]


def _fused_norm(agg, dinv3, b2, batch_pad3, batch3, w2, bias2, a2, x):
    return pl.pallas_call(
        _fused_body,
        grid=(_NBA + _NBB,),
        in_specs=[
            pl.BlockSpec((2, _ABLK, FEAT),
                         lambda i: (0, jnp.where(i < _NBA, i, 0), 0)),
            pl.BlockSpec((1, 1, _ABLK),
                         lambda i: (jnp.where(i < _NBA, i, 0), 0, 0)),
            pl.BlockSpec((1, D), lambda i: (0, 0)),
            pl.BlockSpec((1, 1, _ABLK),
                         lambda i: (jnp.where(i < _NBA, i, 0), 0, 0)),
            pl.BlockSpec((1, 1, _BBLK),
                         lambda i: (jnp.where(i < _NBA, 0, i - _NBA), 0, 0)),
            pl.BlockSpec((1, D), lambda i: (0, 0)),
            pl.BlockSpec((1, D), lambda i: (0, 0)),
            pl.BlockSpec((1, D), lambda i: (0, 0)),
            pl.BlockSpec((_BBLK, D),
                         lambda i: (jnp.where(i < _NBA, 0, i - _NBA), 0)),
        ],
        out_specs=pl.BlockSpec(
            (_BBLK, D), lambda i: (jnp.where(i < _NBA, 0, i - _NBA), 0)),
        out_shape=jax.ShapeDtypeStruct((N, D), jnp.float32),
        scratch_shapes=[
            pltpu.VMEM((N_PAD, D), jnp.float32),
            pltpu.VMEM((G, D), jnp.float32),
            pltpu.VMEM((G, D), jnp.float32),
            pltpu.VMEM((G, 128), jnp.float32),
        ],
    )(agg, dinv3, b2, batch_pad3, batch3, w2, bias2, a2, x)


def kernel(x, edge_index, batch, W, b, gn_weight, gn_bias, gn_mean_scale):
    f32 = jnp.float32
    pad_i = jnp.arange(E_PAD - E, dtype=jnp.int32)
    pad_row = N + pad_i % PAD_ROWS
    src_full = jnp.concatenate([edge_index[0], pad_row])
    dst_full = jnp.concatenate([edge_index[1], pad_row])
    src3 = jnp.stack([src_full, src_full + N_PAD]).reshape(
        2, 16, AGG_CHUNKS, CHUNK)
    dst3 = dst_full.reshape(16, AGG_CHUNKS, CHUNK)
    dst_deg = dst_full.reshape(32, DEG_CHUNKS, CHUNK)
    x_pad = jnp.zeros((N_PAD, D), f32).at[:N].set(x)
    zeros_hbm = jnp.zeros((N_PAD,), f32)
    batch_pad3 = jnp.concatenate(
        [batch, jnp.full((PAD_ROWS,), G, jnp.int32)]).reshape(
            N_PAD // _ABLK, 1, _ABLK)
    batch3 = batch.reshape(N // _BBLK, 1, _BBLK)
    b2 = b.reshape(1, D)
    w2 = gn_weight.reshape(1, D)
    bias2 = gn_bias.reshape(1, D)
    a2 = gn_mean_scale.reshape(1, D)

    deg = _deg_kernel(dst_deg, zeros_hbm)
    degA = deg[0].reshape(N_PAD // _LBLK, 1, _LBLK)
    degB = deg[1].reshape(N_PAD // _LBLK, 1, _LBLK)
    h_stack, dinv3 = _lin(x_pad, W, degA, degB)
    h_flat = h_stack.reshape(2 * N_PAD, FEAT)
    agg = _agg_kernel(h_flat, src3, dst3)
    return _fused_norm(agg, dinv3, b2, batch_pad3, batch3, w2, bias2, a2, x)

# --- scband reference (transcript-rebuilt; emitter-appended) ---
"""Pipeline reference for scband-gcnblock-14680198218266 (READ-ONLY COPY).

The authoritative reference and input builder live on the scoring server;
editing this copy changes nothing except your own understanding.
"""

import jax, jax.numpy as jnp
import numpy as np

N = 10000
E = 160000
D = 256
G = 32
EPS = 1e-5

def setup_inputs(seed: int = 0):
    key = jax.random.key(seed)
    k1, k2, k3, k4 = jax.random.split(key, 4)
    x = jax.random.normal(k1, (N, D), dtype=jnp.float32)
    edge_index = jax.random.randint(k2, (2, E), 0, N, dtype=jnp.int32)
    batch = jnp.sort(jax.random.randint(k3, (N,), 0, G, dtype=jnp.int32))
    W = jax.random.normal(k4, (D, D), dtype=jnp.float32) * (1.0 / np.sqrt(D))
    b = jnp.zeros((D,), dtype=jnp.float32)
    gn_weight = jnp.ones((D,), dtype=jnp.float32)
    gn_bias = jnp.zeros((D,), dtype=jnp.float32)
    gn_mean_scale = jnp.ones((D,), dtype=jnp.float32)
    return {"x": x, "edge_index": edge_index, "batch": batch, "W": W, "b": b, "gn_weight": gn_weight, "gn_bias": gn_bias, "gn_mean_scale": gn_mean_scale}

def _gcn_conv(x, edge_index, W, b):
    # PyG GCNConv(normalize=True): lin -> add self loops -> sym norm -> scatter-add -> + bias
    n = x.shape[0]
    loop = jnp.arange(n, dtype=edge_index.dtype)
    src = jnp.concatenate([edge_index[0], loop])
    dst = jnp.concatenate([edge_index[1], loop])
    ew = jnp.ones(src.shape[0], dtype=x.dtype)
    deg = jnp.zeros((n,), dtype=x.dtype).at[dst].add(ew)
    dinv = jnp.where(deg > 0, 1.0 / jnp.sqrt(deg), 0.0)
    norm = dinv[src] * dinv[dst]
    h = x @ W
    msg = h[src] * norm[:, None]
    out = jnp.zeros((n, h.shape[1]), dtype=x.dtype).at[dst].add(msg)
    return out + b

def _graph_norm(x, batch, weight, bias, mean_scale):
    # PyG GraphNorm: out = (x - alpha*mean[batch]) / sqrt(var + eps) * weight + bias
    n = x.shape[0]
    ones = jnp.ones((n,), dtype=x.dtype)
    cnt = jnp.maximum(jax.ops.segment_sum(ones, batch, num_segments=G), 1.0)
    mean = jax.ops.segment_sum(x, batch, num_segments=G) / cnt[:, None]
    out = x - mean[batch] * mean_scale
    var = jax.ops.segment_sum(out * out, batch, num_segments=G) / cnt[:, None]
    std = jnp.sqrt(var + EPS)
    return out / std[batch] * weight + bias

def reference(x, edge_index, batch, W, b, gn_weight, gn_bias, gn_mean_scale):
    out = _gcn_conv(x, edge_index, W, b)
    out = _graph_norm(out, batch, gn_weight, gn_bias, gn_mean_scale)
    out = jax.nn.relu(out)
    # dropout is identity at inference (training=False)
    return out + x

if __name__ == "__main__":
    import jax
    _d = setup_inputs()
    print(jax.jit(kernel)(*tuple(_d.values())))

</pallas_src>

<mosaic_0001>
#map = affine_map<(d0, d1) -> (0, 0, 0)>
#map1 = affine_map<(d0, d1) -> (0)>
#map2 = affine_map<(d0, d1) -> (0, 0)>
module attributes {stable_mosaic.version = 14 : i64} {
  func.func @_deg_body(%arg0: i32, %arg1: i32, %arg2: memref<32x40x128xi32, #tpu.memory_space<hbm>>, %arg3: memref<10240xf32, #tpu.memory_space<hbm>>, %arg4: memref<2x10240xf32, #tpu.memory_space<hbm>>, %arg5: memref<40x128xi32, #tpu.memory_space<vmem>>, %arg6: memref<128xf32, #tpu.memory_space<vmem>>, %arg7: memref<10240xf32, #tpu.memory_space<vmem_shared>>) attributes {dimension_semantics = [#tpu.dimension_semantics<core_parallel>, #tpu.dimension_semantics<subcore_parallel>], iteration_bounds = array<i64: 2, 16>, scalar_prefetch = 0 : i64, scratch_operands = 3 : i64, tpu.core_type = #tpu.core_type<sc_vector_subcore>, window_params = [{transform_indices = #map}, {transform_indices = #map1}, {transform_indices = #map2}]} {
    %mul3A = arith.constant 2 : i32
    %mul3A_0 = arith.muli %arg1, %mul3A : i32
    %add3A = arith.addi %mul3A_0, %arg0 : i32
    %mul3A_1 = arith.constant 640 : i32
    %mul3A_2 = arith.muli %arg1, %mul3A_1 : i32
    %mul3A_3 = arith.constant 640 : i32
    %mul3A_4 = arith.muli %arg1, %mul3A_3 : i32
    "tpu.region"() ({
      %run_scoped3A = tpu.sem_alloc : memref<!tpu.dma_semaphore, #tpu.memory_space<semaphore_mem>>
      %dma_start3A = tpu.memref_slice %arg7[%mul3A_4] : memref<10240xf32, #tpu.memory_space<vmem_shared>> -> memref<640xf32, #tpu.memory_space<vmem_shared>>
      %dma_start3A_60 = tpu.memref_slice %arg3[%mul3A_2] : memref<10240xf32, #tpu.memory_space<hbm>> -> memref<640xf32, #tpu.memory_space<hbm>>
      tpu.enqueue_dma source(%dma_start3A_60 : memref<640xf32, #tpu.memory_space<hbm>>) target(%dma_start3A : memref<640xf32, #tpu.memory_space<vmem_shared>>) target_semaphore(%run_scoped3A : memref<!tpu.dma_semaphore, #tpu.memory_space<semaphore_mem>>)
      %dma_wait3A = tpu.memref_slice %arg7[%mul3A_4] : memref<10240xf32, #tpu.memory_space<vmem_shared>> -> memref<640xf32, #tpu.memory_space<vmem_shared>>
      %dma_wait3A_61 = tpu.memref_slice %arg3[%mul3A_2] : memref<10240xf32, #tpu.memory_space<hbm>> -> memref<640xf32, #tpu.memory_space<hbm>>
      tpu.wait_dma2 semaphore(%run_scoped3A : memref<!tpu.dma_semaphore, #tpu.memory_space<semaphore_mem>>) src(%dma_wait3A_61 : memref<640xf32, #tpu.memory_space<hbm>>) dst(%dma_wait3A : memref<640xf32, #tpu.memory_space<vmem_shared>>)
      tpu.yield
    }) : () -> ()
    %broadcast_in_dim3A = arith.constant 1.000000e+00 : f32
    %broadcast_in_dim3A_5 = vector.broadcast %broadcast_in_dim3A : f32 to vector<16xf32>
    %swap3A = arith.constant 0 : index
    %swap3A_6 = tpu.vector_load %arg6[%swap3A] {strides = array<i32>} : memref<128xf32, #tpu.memory_space<vmem>>, vector<16xf32>,
    %swap3A_7 = vector.shape_cast %swap3A_6 : vector<16xf32> to vector<16xf32>
    %swap3A_8 = vector.shape_cast %broadcast_in_dim3A_5 : vector<16xf32> to vector<16xf32>
    tpu.vector_store %arg6[%swap3A], %swap3A_8 {strides = array<i32>} : memref<128xf32, #tpu.memory_space<vmem>>, vector<16xf32>,
    %broadcast_in_dim3A_9 = arith.constant 1.000000e+00 : f32
    %broadcast_in_dim3A_10 = vector.broadcast %broadcast_in_dim3A_9 : f32 to vector<16xf32>
    %swap3A_11 = arith.constant 16 : index
    %swap3A_12 = tpu.vector_load %arg6[%swap3A_11] {strides = array<i32>} : memref<128xf32, #tpu.memory_space<vmem>>, vector<16xf32>,
    %swap3A_13 = vector.shape_cast %swap3A_12 : vector<16xf32> to vector<16xf32>
    %swap3A_14 = vector.shape_cast %broadcast_in_dim3A_10 : vector<16xf32> to vector<16xf32>
    tpu.vector_store %arg6[%swap3A_11], %swap3A_14 {strides = array<i32>} : memref<128xf32, #tpu.memory_space<vmem>>, vector<16xf32>,
    %broadcast_in_dim3A_15 = arith.constant 1.000000e+00 : f32
    %broadcast_in_dim3A_16 = vector.broadcast %broadcast_in_dim3A_15 : f32 to vector<16xf32>
    %swap3A_17 = arith.constant 32 : index
    %swap3A_18 = tpu.vector_load %arg6[%swap3A_17] {strides = array<i32>} : memref<128xf32, #tpu.memory_space<vmem>>, vector<16xf32>,
    %swap3A_19 = vector.shape_cast %swap3A_18 : vector<16xf32> to vector<16xf32>
    %swap3A_20 = vector.shape_cast %broadcast_in_dim3A_16 : vector<16xf32> to vector<16xf32>
    tpu.vector_store %arg6[%swap3A_17], %swap3A_20 {strides = array<i32>} : memref<128xf32, #tpu.memory_space<vmem>>, vector<16xf32>,
    %broadcast_in_dim3A_21 = arith.constant 1.000000e+00 : f32
    %broadcast_in_dim3A_22 = vector.broadcast %broadcast_in_dim3A_21 : f32 to vector<16xf32>
    %swap3A_23 = arith.constant 48 : index
    %swap3A_24 = tpu.vector_load %arg6[%swap3A_23] {strides = array<i32>} : memref<128xf32, #tpu.memory_space<vmem>>, vector<16xf32>,
    %swap3A_25 = vector.shape_cast %swap3A_24 : vector<16xf32> to vector<16xf32>
    %swap3A_26 = vector.shape_cast %broadcast_in_dim3A_22 : vector<16xf32> to vector<16xf32>
    tpu.vector_store %arg6[%swap3A_23], %swap3A_26 {strides = array<i32>} : memref<128xf32, #tpu.memory_space<vmem>>, vector<16xf32>,
    %broadcast_in_dim3A_27 = arith.constant 1.000000e+00 : f32
    %broadcast_in_dim3A_28 = vector.broadcast %broadcast_in_dim3A_27 : f32 to vector<16xf32>
    %swap3A_29 = arith.constant 64 : index
    %swap3A_30 = tpu.vector_load %arg6[%swap3A_29] {strides = array<i32>} : memref<128xf32, #tpu.memory_space<vmem>>, vector<16xf32>,
    %swap3A_31 = vector.shape_cast %swap3A_30 : vector<16xf32> to vector<16xf32>
    %swap3A_32 = vector.shape_cast %broadcast_in_dim3A_28 : vector<16xf32> to vector<16xf32>
    tpu.vector_store %arg6[%swap3A_29], %swap3A_32 {strides = array<i32>} : memref<128xf32, #tpu.memory_space<vmem>>, vector<16xf32>,
    %broadcast_in_dim3A_33 = arith.constant 1.000000e+00 : f32
    %broadcast_in_dim3A_34 = vector.broadcast %broadcast_in_dim3A_33 : f32 to vector<16xf32>
    %swap3A_35 = arith.constant 80 : index
    %swap3A_36 = tpu.vector_load %arg6[%swap3A_35] {strides = array<i32>} : memref<128xf32, #tpu.memory_space<vmem>>, vector<16xf32>,
    %swap3A_37 = vector.shape_cast %swap3A_36 : vector<16xf32> to vector<16xf32>
    %swap3A_38 = vector.shape_cast %broadcast_in_dim3A_34 : vector<16xf32> to vector<16xf32>
    tpu.vector_store %arg6[%swap3A_35], %swap3A_38 {strides = array<i32>} : memref<128xf32, #tpu.memory_space<vmem>>, vector<16xf32>,
    %broadcast_in_dim3A_39 = arith.constant 1.000000e+00 : f32
    %broadcast_in_dim3A_40 = vector.broadcast %broadcast_in_dim3A_39 : f32 to vector<16xf32>
    %swap3A_41 = arith.constant 96 : index
    %swap3A_42 = tpu.vector_load %arg6[%swap3A_41] {strides = array<i32>} : memref<128xf32, #tpu.memory_space<vmem>>, vector<16xf32>,
    %swap3A_43 = vector.shape_cast %swap3A_42 : vector<16xf32> to vector<16xf32>
    %swap3A_44 = vector.shape_cast %broadcast_in_dim3A_40 : vector<16xf32> to vector<16xf32>
    tpu.vector_store %arg6[%swap3A_41], %swap3A_44 {strides = array<i32>} : memref<128xf32, #tpu.memory_space<vmem>>, vector<16xf32>,
    %broadcast_in_dim3A_45 = arith.constant 1.000000e+00 : f32
    %broadcast_in_dim3A_46 = vector.broadcast %broadcast_in_dim3A_45 : f32 to vector<16xf32>
    %swap3A_47 = arith.constant 112 : index
    %swap3A_48 = tpu.vector_load %arg6[%swap3A_47] {strides = array<i32>} : memref<128xf32, #tpu.memory_space<vmem>>, vector<16xf32>,
    %swap3A_49 = vector.shape_cast %swap3A_48 : vector<16xf32> to vector<16xf32>
    %swap3A_50 = vector.shape_cast %broadcast_in_dim3A_46 : vector<16xf32> to vector<16xf32>
    tpu.vector_store %arg6[%swap3A_47], %swap3A_50 {strides = array<i32>} : memref<128xf32, #tpu.memory_space<vmem>>, vector<16xf32>,
    "tpu.region"() ({
      %run_scoped3A = tpu.sem_alloc : memref<!tpu.dma_semaphore, #tpu.memory_space<semaphore_mem>>
      %dma_start3A = arith.constant 0 : i32
      %dma_start3A_60 = arith.constant 0 : i32
      %dma_start3A_61 = tpu.memref_slice %arg2[%add3A, %dma_start3A, %dma_start3A_60] : memref<32x40x128xi32, #tpu.memory_space<hbm>> -> memref<1x40x128xi32, #tpu.memory_space<hbm>>
      %dma_start3A_62 = tpu.memref_squeeze %dma_start3A_61 : memref<1x40x128xi32, #tpu.memory_space<hbm>> -> memref<40x128xi32, #tpu.memory_space<hbm>>
      %dma_start3A_63 = arith.constant 0 : i32
      %dma_start3A_64 = arith.constant 0 : i32
      %dma_start3A_65 = tpu.memref_slice %arg2[%add3A, %dma_start3A_63, %dma_start3A_64] : memref<32x40x128xi32, #tpu.memory_space<hbm>> -> memref<1x40x128xi32, #tpu.memory_space<hbm>>
      %dma_start3A_66 = tpu.memref_squeeze %dma_start3A_65 : memref<1x40x128xi32, #tpu.memory_space<hbm>> -> memref<40x128xi32, #tpu.memory_space<hbm>>
      tpu.enqueue_dma source(%dma_start3A_66 : memref<40x128xi32, #tpu.memory_space<hbm>>) target(%arg5 : memref<40x128xi32, #tpu.memory_space<vmem>>) target_semaphore(%run_scoped3A : memref<!tpu.dma_semaphore, #tpu.memory_space<semaphore_mem>>)
      %dma_wait3A = arith.constant 0 : i32
      %dma_wait3A_67 = arith.constant 0 : i32
      %dma_wait3A_68 = tpu.memref_slice %arg2[%add3A, %dma_wait3A, %dma_wait3A_67] : memref<32x40x128xi32, #tpu.memory_space<hbm>> -> memref<1x40x128xi32, #tpu.memory_space<hbm>>
      %dma_wait3A_69 = tpu.memref_squeeze %dma_wait3A_68 : memref<1x40x128xi32, #tpu.memory_space<hbm>> -> memref<40x128xi32, #tpu.memory_space<hbm>>
      %dma_wait3A_70 = arith.constant 0 : i32
      %dma_wait3A_71 = arith.constant 0 : i32
      %dma_wait3A_72 = tpu.memref_slice %arg2[%add3A, %dma_wait3A_70, %dma_wait3A_71] : memref<32x40x128xi32, #tpu.memory_space<hbm>> -> memref<1x40x128xi32, #tpu.memory_space<hbm>>
      %dma_wait3A_73 = tpu.memref_squeeze %dma_wait3A_72 : memref<1x40x128xi32, #tpu.memory_space<hbm>> -> memref<40x128xi32, #tpu.memory_space<hbm>>
      tpu.wait_dma2 semaphore(%run_scoped3A : memref<!tpu.dma_semaphore, #tpu.memory_space<semaphore_mem>>) src(%dma_wait3A_73 : memref<40x128xi32, #tpu.memory_space<hbm>>) dst(%arg5 : memref<40x128xi32, #tpu.memory_space<vmem>>)
      tpu.yield
    }) : () -> ()
    %barrier3A = arith.constant 0 : index
    tpu.barrier barrier_id(%barrier3A)
    %scan3A = arith.constant 0 : i32
    %scan3A_51 = arith.constant 40 : i32
    %scan3A_52 = arith.addi %scan3A, %scan3A_51 : i32
    %scan3A_53 = arith.constant 1 : i32
    scf.for %scan3A_60 = %scan3A to %scan3A_52 step %scan3A_53  : i32 {
      "tpu.region"() ({
        %run_scoped3A = tpu.sem_alloc : memref<!tpu.dma_semaphore, #tpu.memory_space<semaphore_mem>>
        %dma_start3A = arith.constant 0 : i32
        %dma_start3A_61 = tpu.memref_slice %arg5[%scan3A_60, %dma_start3A] : memref<40x128xi32, #tpu.memory_space<vmem>> -> memref<1x128xi32, #tpu.memory_space<vmem>>
        %dma_start3A_62 = tpu.memref_squeeze %dma_start3A_61 : memref<1x128xi32, #tpu.memory_space<vmem>> -> memref<128xi32, #tpu.memory_space<vmem>>
        %dma_start3A_63 = arith.constant 0 : i32
        %dma_start3A_64 = tpu.memref_slice %arg7[%dma_start3A_63] : memref<10240xf32, #tpu.memory_space<vmem_shared>> -> memref<10240xf32, #tpu.memory_space<vmem_shared>>
        tpu.enqueue_indirect_dma source(%arg6 : memref<128xf32, #tpu.memory_space<vmem>>) target(%dma_start3A_64 : memref<10240xf32, #tpu.memory_space<vmem_shared>>) offsets(%dma_start3A_62 : memref<128xi32, #tpu.memory_space<vmem>>) semaphore(%run_scoped3A : memref<!tpu.dma_semaphore, #tpu.memory_space<semaphore_mem>>) {add = true}
        %dma_wait3A = arith.constant 0 : i32
        %dma_wait3A_65 = tpu.memref_slice %arg5[%scan3A_60, %dma_wait3A] : memref<40x128xi32, #tpu.memory_space<vmem>> -> memref<1x128xi32, #tpu.memory_space<vmem>>
        %dma_wait3A_66 = tpu.memref_squeeze %dma_wait3A_65 : memref<1x128xi32, #tpu.memory_space<vmem>> -> memref<128xi32, #tpu.memory_space<vmem>>
        %dma_wait3A_67 = arith.constant 0 : i32
        %dma_wait3A_68 = tpu.memref_slice %arg7[%dma_wait3A_67] : memref<10240xf32, #tpu.memory_space<vmem_shared>> -> memref<10240xf32, #tpu.memory_space<vmem_shared>>
        tpu.wait_indirect_dma semaphore(%run_scoped3A : memref<!tpu.dma_semaphore, #tpu.memory_space<semaphore_mem>>) src(%arg6 : memref<128xf32, #tpu.memory_space<vmem>>) dst(%dma_wait3A_68 : memref<10240xf32, #tpu.memory_space<vmem_shared>>)
        tpu.yield
      }) : () -> ()
    }
    %scan3A_54 = arith.constant 40 : i32
    %barrier3A_55 = arith.constant 0 : index
    tpu.barrier barrier_id(%barrier3A_55)
    %mul3A_56 = arith.constant 640 : i32
    %mul3A_57 = arith.muli %arg1, %mul3A_56 : i32
    %mul3A_58 = arith.constant 640 : i32
    %mul3A_59 = arith.muli %arg1, %mul3A_58 : i32
    "tpu.region"() ({
      %run_scoped3A = tpu.sem_alloc : memref<!tpu.dma_semaphore, #tpu.memory_space<semaphore_mem>>
      %dma_start3A = tpu.memref_slice %arg4[%arg0, %mul3A_59] : memref<2x10240xf32, #tpu.memory_space<hbm>> -> memref<1x640xf32, #tpu.memory_space<hbm>>
      %dma_start3A_60 = tpu.memref_squeeze %dma_start3A : memref<1x640xf32, #tpu.memory_space<hbm>> -> memref<640xf32, #tpu.memory_space<hbm>>
      %dma_start3A_61 = tpu.memref_slice %arg7[%mul3A_57] : memref<10240xf32, #tpu.memory_space<vmem_shared>> -> memref<640xf32, #tpu.memory_space<vmem_shared>>
      tpu.enqueue_dma source(%dma_start3A_61 : memref<640xf32, #tpu.memory_space<vmem_shared>>) target(%dma_start3A_60 : memref<640xf32, #tpu.memory_space<hbm>>) target_semaphore(%run_scoped3A : memref<!tpu.dma_semaphore, #tpu.memory_space<semaphore_mem>>)
      %dma_wait3A = tpu.memref_slice %arg4[%arg0, %mul3A_59] : memref<2x10240xf32, #tpu.memory_space<hbm>> -> memref<1x640xf32, #tpu.memory_space<hbm>>
      %dma_wait3A_62 = tpu.memref_squeeze %dma_wait3A : memref<1x640xf32, #tpu.memory_space<hbm>> -> memref<640xf32, #tpu.memory_space<hbm>>
      %dma_wait3A_63 = tpu.memref_slice %arg7[%mul3A_57] : memref<10240xf32, #tpu.memory_space<vmem_shared>> -> memref<640xf32, #tpu.memory_space<vmem_shared>>
      tpu.wait_dma2 semaphore(%run_scoped3A : memref<!tpu.dma_semaphore, #tpu.memory_space<semaphore_mem>>) src(%dma_wait3A_63 : memref<640xf32, #tpu.memory_space<vmem_shared>>) dst(%dma_wait3A_62 : memref<640xf32, #tpu.memory_space<hbm>>)
      tpu.yield
    }) : () -> ()
    return
  }
}

#map = affine_map<(d0, d1) -> (0, 0)>
#map1 = affine_map<(d0, d1) -> (0, 0, 0, 0)>
#map2 = affine_map<(d0, d1) -> (0, 0, 0)>
module attributes {stable_mosaic.version = 14 : i64} {
  func.func @_agg_body(%arg0: i32, %arg1: i32, %arg2: memref<20480x128xf32, #tpu.memory_space<hbm>>, %arg3: memref<2x16x80x128xi32, #tpu.memory_space<hbm>>, %arg4: memref<16x80x128xi32, #tpu.memory_space<hbm>>, %arg5: memref<2x10240x128xf32, #tpu.memory_space<hbm>>, %arg6: memref<40x128xi32, #tpu.memory_space<vmem>>, %arg7: memref<40x128xi32, #tpu.memory_space<vmem>>, %arg8: memref<128x128xf32, #tpu.memory_space<vmem>>, %arg9: memref<128x128xf32, #tpu.memory_space<vmem>>, %arg10: memref<!tpu.dma_semaphore, #tpu.memory_space<semaphore_mem>>, %arg11: memref<!tpu.dma_semaphore, #tpu.memory_space<semaphore_mem>>, %arg12: memref<10240x128xf32, #tpu.memory_space<vmem_shared>>) attributes {dimension_semantics = [#tpu.dimension_semantics<core_parallel>, #tpu.dimension_semantics<subcore_parallel>], iteration_bounds = array<i64: 2, 16>, scalar_prefetch = 0 : i64, scratch_operands = 7 : i64, tpu.core_type = #tpu.core_type<sc_vector_subcore>, window_params = [{transform_indices = #map}, {transform_indices = #map1}, {transform_indices = #map2}, {transform_indices = #map2}]} {
    %mul3A = arith.constant 10240 : i32
    %mul3A_0 = arith.muli %arg0, %mul3A : i32
    %mul3A_1 = arith.constant 640 : i32
    %mul3A_2 = arith.muli %arg1, %mul3A_1 : i32
    %add3A = arith.addi %mul3A_0, %mul3A_2 : i32
    %mul3A_3 = arith.constant 640 : i32
    %mul3A_4 = arith.muli %arg1, %mul3A_3 : i32
    "tpu.region"() ({
      %run_scoped3A_76 = tpu.sem_alloc : memref<!tpu.dma_semaphore, #tpu.memory_space<semaphore_mem>>
      %dma_start3A_77 = arith.constant 0 : i32
      %dma_start3A_78 = tpu.memref_slice %arg12[%mul3A_4, %dma_start3A_77] : memref<10240x128xf32, #tpu.memory_space<vmem_shared>> -> memref<640x128xf32, #tpu.memory_space<vmem_shared>>
      %dma_start3A_79 = arith.constant 0 : i32
      %dma_start3A_80 = tpu.memref_slice %arg2[%add3A, %dma_start3A_79] : memref<20480x128xf32, #tpu.memory_space<hbm>> -> memref<640x128xf32, #tpu.memory_space<hbm>>
      tpu.enqueue_dma source(%dma_start3A_80 : memref<640x128xf32, #tpu.memory_space<hbm>>) target(%dma_start3A_78 : memref<640x128xf32, #tpu.memory_space<vmem_shared>>) target_semaphore(%run_scoped3A_76 : memref<!tpu.dma_semaphore, #tpu.memory_space<semaphore_mem>>)
      %dma_wait3A_81 = arith.constant 0 : i32
      %dma_wait3A_82 = tpu.memref_slice %arg12[%mul3A_4, %dma_wait3A_81] : memref<10240x128xf32, #tpu.memory_space<vmem_shared>> -> memref<640x128xf32, #tpu.memory_space<vmem_shared>>
      %dma_wait3A_83 = arith.constant 0 : i32
      %dma_wait3A_84 = tpu.memref_slice %arg2[%add3A, %dma_wait3A_83] : memref<20480x128xf32, #tpu.memory_space<hbm>> -> memref<640x128xf32, #tpu.memory_space<hbm>>
      tpu.wait_dma2 semaphore(%run_scoped3A_76 : memref<!tpu.dma_semaphore, #tpu.memory_space<semaphore_mem>>) src(%dma_wait3A_84 : memref<640x128xf32, #tpu.memory_space<hbm>>) dst(%dma_wait3A_82 : memref<640x128xf32, #tpu.memory_space<vmem_shared>>)
      tpu.yield
    }) : () -> ()
    %barrier3A = arith.constant 0 : index
    tpu.barrier barrier_id(%barrier3A)
    "tpu.region"() ({
      %run_scoped3A_76 = tpu.sem_alloc : memref<!tpu.dma_semaphore, #tpu.memory_space<semaphore_mem>>
      %dma_start3A_77 = arith.constant 0 : i32
      %dma_start3A_78 = arith.constant 0 : i32
      %dma_start3A_79 = tpu.memref_slice %arg3[%arg0, %arg1, %dma_start3A_77, %dma_start3A_78] : memref<2x16x80x128xi32, #tpu.memory_space<hbm>> -> memref<1x1x40x128xi32, #tpu.memory_space<hbm>>
      %dma_start3A_80 = tpu.memref_squeeze %dma_start3A_79 : memref<1x1x40x128xi32, #tpu.memory_space<hbm>> -> memref<40x128xi32, #tpu.memory_space<hbm>>
      %dma_start3A_81 = arith.constant 0 : i32
      %dma_start3A_82 = arith.constant 0 : i32
      %dma_start3A_83 = tpu.memref_slice %arg3[%arg0, %arg1, %dma_start3A_81, %dma_start3A_82] : memref<2x16x80x128xi32, #tpu.memory_space<hbm>> -> memref<1x1x40x128xi32, #tpu.memory_space<hbm>>
      %dma_start3A_84 = tpu.memref_squeeze %dma_start3A_83 : memref<1x1x40x128xi32, #tpu.memory_space<hbm>> -> memref<40x128xi32, #tpu.memory_space<hbm>>
      tpu.enqueue_dma source(%dma_start3A_84 : memref<40x128xi32, #tpu.memory_space<hbm>>) target(%arg6 : memref<40x128xi32, #tpu.memory_space<vmem>>) target_semaphore(%run_scoped3A_76 : memref<!tpu.dma_semaphore, #tpu.memory_space<semaphore_mem>>)
      %dma_wait3A_85 = arith.constant 0 : i32
      %dma_wait3A_86 = arith.constant 0 : i32
      %dma_wait3A_87 = tpu.memref_slice %arg3[%arg0, %arg1, %dma_wait3A_85, %dma_wait3A_86] : memref<2x16x80x128xi32, #tpu.memory_space<hbm>> -> memref<1x1x40x128xi32, #tpu.memory_space<hbm>>
      %dma_wait3A_88 = tpu.memref_squeeze %dma_wait3A_87 : memref<1x1x40x128xi32, #tpu.memory_space<hbm>> -> memref<40x128xi32, #tpu.memory_space<hbm>>
      %dma_wait3A_89 = arith.constant 0 : i32
      %dma_wait3A_90 = arith.constant 0 : i32
      %dma_wait3A_91 = tpu.memref_slice %arg3[%arg0, %arg1, %dma_wait3A_89, %dma_wait3A_90] : memref<2x16x80x128xi32, #tpu.memory_space<hbm>> -> memref<1x1x40x128xi32, #tpu.memory_space<hbm>>
      %dma_wait3A_92 = tpu.memref_squeeze %dma_wait3A_91 : memref<1x1x40x128xi32, #tpu.memory_space<hbm>> -> memref<40x128xi32, #tpu.memory_space<hbm>>
      tpu.wait_dma2 semaphore(%run_scoped3A_76 : memref<!tpu.dma_semaphore, #tpu.memory_space<semaphore_mem>>) src(%dma_wait3A_92 : memref<40x128xi32, #tpu.memory_space<hbm>>) dst(%arg6 : memref<40x128xi32, #tpu.memory_space<vmem>>)
      tpu.yield
    }) : () -> ()
    "tpu.region"() ({
      %run_scoped3A_76 = tpu.sem_alloc : memref<!tpu.dma_semaphore, #tpu.memory_space<semaphore_mem>>
      %dma_start3A_77 = arith.constant 0 : i32
      %dma_start3A_78 = arith.constant 0 : i32
      %dma_start3A_79 = tpu.memref_slice %arg4[%arg1, %dma_start3A_77, %dma_start3A_78] : memref<16x80x128xi32, #tpu.memory_space<hbm>> -> memref<1x40x128xi32, #tpu.memory_space<hbm>>
      %dma_start3A_80 = tpu.memref_squeeze %dma_start3A_79 : memref<1x40x128xi32, #tpu.memory_space<hbm>> -> memref<40x128xi32, #tpu.memory_space<hbm>>
      %dma_start3A_81 = arith.constant 0 : i32
      %dma_start3A_82 = arith.constant 0 : i32
      %dma_start3A_83 = tpu.memref_slice %arg4[%arg1, %dma_start3A_81, %dma_start3A_82] : memref<16x80x128xi32, #tpu.memory_space<hbm>> -> memref<1x40x128xi32, #tpu.memory_space<hbm>>
      %dma_start3A_84 = tpu.memref_squeeze %dma_start3A_83 : memref<1x40x128xi32, #tpu.memory_space<hbm>> -> memref<40x128xi32, #tpu.memory_space<hbm>>
      tpu.enqueue_dma source(%dma_start3A_84 : memref<40x128xi32, #tpu.memory_space<hbm>>) target(%arg7 : memref<40x128xi32, #tpu.memory_space<vmem>>) target_semaphore(%run_scoped3A_76 : memref<!tpu.dma_semaphore, #tpu.memory_space<semaphore_mem>>)
      %dma_wait3A_85 = arith.constant 0 : i32
      %dma_wait3A_86 = arith.constant 0 : i32
      %dma_wait3A_87 = tpu.memref_slice %arg4[%arg1, %dma_wait3A_85, %dma_wait3A_86] : memref<16x80x128xi32, #tpu.memory_space<hbm>> -> memref<1x40x128xi32, #tpu.memory_space<hbm>>
      %dma_wait3A_88 = tpu.memref_squeeze %dma_wait3A_87 : memref<1x40x128xi32, #tpu.memory_space<hbm>> -> memref<40x128xi32, #tpu.memory_space<hbm>>
      %dma_wait3A_89 = arith.constant 0 : i32
      %dma_wait3A_90 = arith.constant 0 : i32
      %dma_wait3A_91 = tpu.memref_slice %arg4[%arg1, %dma_wait3A_89, %dma_wait3A_90] : memref<16x80x128xi32, #tpu.memory_space<hbm>> -> memref<1x40x128xi32, #tpu.memory_space<hbm>>
      %dma_wait3A_92 = tpu.memref_squeeze %dma_wait3A_91 : memref<1x40x128xi32, #tpu.memory_space<hbm>> -> memref<40x128xi32, #tpu.memory_space<hbm>>
      tpu.wait_dma2 semaphore(%run_scoped3A_76 : memref<!tpu.dma_semaphore, #tpu.memory_space<semaphore_mem>>) src(%dma_wait3A_92 : memref<40x128xi32, #tpu.memory_space<hbm>>) dst(%arg7 : memref<40x128xi32, #tpu.memory_space<vmem>>)
      tpu.yield
    }) : () -> ()
    %dma_start3A = arith.constant 0 : i32
    %dma_start3A_5 = arith.constant 0 : i32
    %dma_start3A_6 = tpu.memref_slice %arg6[%dma_start3A, %dma_start3A_5] : memref<40x128xi32, #tpu.memory_space<vmem>> -> memref<1x128xi32, #tpu.memory_space<vmem>>
    %dma_start3A_7 = tpu.memref_squeeze %dma_start3A_6 : memref<1x128xi32, #tpu.memory_space<vmem>> -> memref<128xi32, #tpu.memory_space<vmem>>
    %dma_start3A_8 = arith.constant 0 : i32
    %dma_start3A_9 = arith.constant 0 : i32
    %dma_start3A_10 = tpu.memref_slice %arg2[%dma_start3A_8, %dma_start3A_9] : memref<20480x128xf32, #tpu.memory_space<hbm>> -> memref<20480x128xf32, #tpu.memory_space<hbm>>
    tpu.enqueue_indirect_dma source(%dma_start3A_10 : memref<20480x128xf32, #tpu.memory_space<hbm>>) target(%arg8 : memref<128x128xf32, #tpu.memory_space<vmem>>) offsets(%dma_start3A_7 : memref<128xi32, #tpu.memory_space<vmem>>) semaphore(%arg10 : memref<!tpu.dma_semaphore, #tpu.memory_space<semaphore_mem>>)
    %scan3A = arith.constant 0 : i32
    %scan3A_11 = arith.constant 19 : i32
    %scan3A_12 = arith.addi %scan3A, %scan3A_11 : i32
    %scan3A_13 = arith.constant 1 : i32
    scf.for %scan3A_76 = %scan3A to %scan3A_12 step %scan3A_13  : i32 {
      %mul3A_77 = arith.constant 2 : i32
      %mul3A_78 = arith.muli %scan3A_76, %mul3A_77 : i32
      %add3A_79 = arith.constant 1 : i32
      %add3A_80 = arith.addi %mul3A_78, %add3A_79 : i32
      %dma_start3A_81 = arith.constant 0 : i32
      %dma_start3A_82 = tpu.memref_slice %arg6[%add3A_80, %dma_start3A_81] : memref<40x128xi32, #tpu.memory_space<vmem>> -> memref<1x128xi32, #tpu.memory_space<vmem>>
      %dma_start3A_83 = tpu.memref_squeeze %dma_start3A_82 : memref<1x128xi32, #tpu.memory_space<vmem>> -> memref<128xi32, #tpu.memory_space<vmem>>
      %dma_start3A_84 = arith.constant 0 : i32
      %dma_start3A_85 = arith.constant 0 : i32
      %dma_start3A_86 = tpu.memref_slice %arg2[%dma_start3A_84, %dma_start3A_85] : memref<20480x128xf32, #tpu.memory_space<hbm>> -> memref<20480x128xf32, #tpu.memory_space<hbm>>
      tpu.enqueue_indirect_dma source(%dma_start3A_86 : memref<20480x128xf32, #tpu.memory_space<hbm>>) target(%arg9 : memref<128x128xf32, #tpu.memory_space<vmem>>) offsets(%dma_start3A_83 : memref<128xi32, #tpu.memory_space<vmem>>) semaphore(%arg11 : memref<!tpu.dma_semaphore, #tpu.memory_space<semaphore_mem>>)
      %dma_wait3A_87 = arith.constant 0 : i32
      %dma_wait3A_88 = tpu.memref_slice %arg6[%mul3A_78, %dma_wait3A_87] : memref<40x128xi32, #tpu.memory_space<vmem>> -> memref<1x128xi32, #tpu.memory_space<vmem>>
      %dma_wait3A_89 = tpu.memref_squeeze %dma_wait3A_88 : memref<1x128xi32, #tpu.memory_space<vmem>> -> memref<128xi32, #tpu.memory_space<vmem>>
      %dma_wait3A_90 = arith.constant 0 : i32
      %dma_wait3A_91 = arith.constant 0 : i32
      %dma_wait3A_92 = tpu.memref_slice %arg2[%dma_wait3A_90, %dma_wait3A_91] : memref<20480x128xf32, #tpu.memory_space<hbm>> -> memref<20480x128xf32, #tpu.memory_space<hbm>>
      tpu.wait_indirect_dma semaphore(%arg10 : memref<!tpu.dma_semaphore, #tpu.memory_space<semaphore_mem>>) src(%dma_wait3A_92 : memref<20480x128xf32, #tpu.memory_space<hbm>>) dst(%arg8 : memref<128x128xf32, #tpu.memory_space<vmem>>)
      "tpu.region"() ({
        %run_scoped3A_111 = tpu.sem_alloc : memref<!tpu.dma_semaphore, #tpu.memory_space<semaphore_mem>>
        %dma_start3A_112 = arith.constant 0 : i32
        %dma_start3A_113 = tpu.memref_slice %arg7[%mul3A_78, %dma_start3A_112] : memref<40x128xi32, #tpu.memory_space<vmem>> -> memref<1x128xi32, #tpu.memory_space<vmem>>
        %dma_start3A_114 = tpu.memref_squeeze %dma_start3A_113 : memref<1x128xi32, #tpu.memory_space<vmem>> -> memref<128xi32, #tpu.memory_space<vmem>>
        %dma_start3A_115 = arith.constant 0 : i32
        %dma_start3A_116 = arith.constant 0 : i32
        %dma_start3A_117 = tpu.memref_slice %arg12[%dma_start3A_115, %dma_start3A_116] : memref<10240x128xf32, #tpu.memory_space<vmem_shared>> -> memref<10240x128xf32, #tpu.memory_space<vmem_shared>>
        tpu.enqueue_indirect_dma source(%arg8 : memref<128x128xf32, #tpu.memory_space<vmem>>) target(%dma_start3A_117 : memref<10240x128xf32, #tpu.memory_space<vmem_shared>>) offsets(%dma_start3A_114 : memref<128xi32, #tpu.memory_space<vmem>>) semaphore(%run_scoped3A_111 : memref<!tpu.dma_semaphore, #tpu.memory_space<semaphore_mem>>) {add = true}
        %dma_wait3A_118 = arith.constant 0 : i32
        %dma_wait3A_119 = tpu.memref_slice %arg7[%mul3A_78, %dma_wait3A_118] : memref<40x128xi32, #tpu.memory_space<vmem>> -> memref<1x128xi32, #tpu.memory_space<vmem>>
        %dma_wait3A_120 = tpu.memref_squeeze %dma_wait3A_119 : memref<1x128xi32, #tpu.memory_space<vmem>> -> memref<128xi32, #tpu.memory_space<vmem>>
        %dma_wait3A_121 = arith.constant 0 : i32
        %dma_wait3A_122 = arith.constant 0 : i32
        %dma_wait3A_123 = tpu.memref_slice %arg12[%dma_wait3A_121, %dma_wait3A_122] : memref<10240x128xf32, #tpu.memory_space<vmem_shared>> -> memref<10240x128xf32, #tpu.memory_space<vmem_shared>>
        tpu.wait_indirect_dma semaphore(%run_scoped3A_111 : memref<!tpu.dma_semaphore, #tpu.memory_space<semaphore_mem>>) src(%arg8 : memref<128x128xf32, #tpu.memory_space<vmem>>) dst(%dma_wait3A_123 : memref<10240x128xf32, #tpu.memory_space<vmem_shared>>)
        tpu.yield
      }) : () -> ()
      %add3A_93 = arith.constant 2 : i32
      %add3A_94 = arith.addi %mul3A_78, %add3A_93 : i32
      %dma_start3A_95 = arith.constant 0 : i32
      %dma_start3A_96 = tpu.memref_slice %arg6[%add3A_94, %dma_start3A_95] : memref<40x128xi32, #tpu.memory_space<vmem>> -> memref<1x128xi32, #tpu.memory_space<vmem>>
      %dma_start3A_97 = tpu.memref_squeeze %dma_start3A_96 : memref<1x128xi32, #tpu.memory_space<vmem>> -> memref<128xi32, #tpu.memory_space<vmem>>
      %dma_start3A_98 = arith.constant 0 : i32
      %dma_start3A_99 = arith.constant 0 : i32
      %dma_start3A_100 = tpu.memref_slice %arg2[%dma_start3A_98, %dma_start3A_99] : memref<20480x128xf32, #tpu.memory_space<hbm>> -> memref<20480x128xf32, #tpu.memory_space<hbm>>
      tpu.enqueue_indirect_dma source(%dma_start3A_100 : memref<20480x128xf32, #tpu.memory_space<hbm>>) target(%arg8 : memref<128x128xf32, #tpu.memory_space<vmem>>) offsets(%dma_start3A_97 : memref<128xi32, #tpu.memory_space<vmem>>) semaphore(%arg10 : memref<!tpu.dma_semaphore, #tpu.memory_space<semaphore_mem>>)
      %add3A_101 = arith.constant 1 : i32
      %add3A_102 = arith.addi %mul3A_78, %add3A_101 : i32
      %dma_wait3A_103 = arith.constant 0 : i32
      %dma_wait3A_104 = tpu.memref_slice %arg6[%add3A_102, %dma_wait3A_103] : memref<40x128xi32, #tpu.memory_space<vmem>> -> memref<1x128xi32, #tpu.memory_space<vmem>>
      %dma_wait3A_105 = tpu.memref_squeeze %dma_wait3A_104 : memref<1x128xi32, #tpu.memory_space<vmem>> -> memref<128xi32, #tpu.memory_space<vmem>>
      %dma_wait3A_106 = arith.constant 0 : i32
      %dma_wait3A_107 = arith.constant 0 : i32
      %dma_wait3A_108 = tpu.memref_slice %arg2[%dma_wait3A_106, %dma_wait3A_107] : memref<20480x128xf32, #tpu.memory_space<hbm>> -> memref<20480x128xf32, #tpu.memory_space<hbm>>
      tpu.wait_indirect_dma semaphore(%arg11 : memref<!tpu.dma_semaphore, #tpu.memory_space<semaphore_mem>>) src(%dma_wait3A_108 : memref<20480x128xf32, #tpu.memory_space<hbm>>) dst(%arg9 : memref<128x128xf32, #tpu.memory_space<vmem>>)
      %add3A_109 = arith.constant 1 : i32
      %add3A_110 = arith.addi %mul3A_78, %add3A_109 : i32
      "tpu.region"() ({
        %run_scoped3A_111 = tpu.sem_alloc : memref<!tpu.dma_semaphore, #tpu.memory_space<semaphore_mem>>
        %dma_start3A_112 = arith.constant 0 : i32
        %dma_start3A_113 = tpu.memref_slice %arg7[%add3A_110, %dma_start3A_112] : memref<40x128xi32, #tpu.memory_space<vmem>> -> memref<1x128xi32, #tpu.memory_space<vmem>>
        %dma_start3A_114 = tpu.memref_squeeze %dma_start3A_113 : memref<1x128xi32, #tpu.memory_space<vmem>> -> memref<128xi32, #tpu.memory_space<vmem>>
        %dma_start3A_115 = arith.constant 0 : i32
        %dma_start3A_116 = arith.constant 0 : i32
        %dma_start3A_117 = tpu.memref_slice %arg12[%dma_start3A_115, %dma_start3A_116] : memref<10240x128xf32, #tpu.memory_space<vmem_shared>> -> memref<10240x128xf32, #tpu.memory_space<vmem_shared>>
        tpu.enqueue_indirect_dma source(%arg9 : memref<128x128xf32, #tpu.memory_space<vmem>>) target(%dma_start3A_117 : memref<10240x128xf32, #tpu.memory_space<vmem_shared>>) offsets(%dma_start3A_114 : memref<128xi32, #tpu.memory_space<vmem>>) semaphore(%run_scoped3A_111 : memref<!tpu.dma_semaphore, #tpu.memory_space<semaphore_mem>>) {add = true}
        %dma_wait3A_118 = arith.constant 0 : i32
        %dma_wait3A_119 = tpu.memref_slice %arg7[%add3A_110, %dma_wait3A_118] : memref<40x128xi32, #tpu.memory_space<vmem>> -> memref<1x128xi32, #tpu.memory_space<vmem>>
        %dma_wait3A_120 = tpu.memref_squeeze %dma_wait3A_119 : memref<1x128xi32, #tpu.memory_space<vmem>> -> memref<128xi32, #tpu.memory_space<vmem>>
        %dma_wait3A_121 = arith.constant 0 : i32
        %dma_wait3A_122 = arith.constant 0 : i32
        %dma_wait3A_123 = tpu.memref_slice %arg12[%dma_wait3A_121, %dma_wait3A_122] : memref<10240x128xf32, #tpu.memory_space<vmem_shared>> -> memref<10240x128xf32, #tpu.memory_space<vmem_shared>>
        tpu.wait_indirect_dma semaphore(%run_scoped3A_111 : memref<!tpu.dma_semaphore, #tpu.memory_space<semaphore_mem>>) src(%arg9 : memref<128x128xf32, #tpu.memory_space<vmem>>) dst(%dma_wait3A_123 : memref<10240x128xf32, #tpu.memory_space<vmem_shared>>)
        tpu.yield
      }) : () -> ()
    }
    %scan3A_14 = arith.constant 19 : i32
    %dma_start3A_15 = arith.constant 39 : i32
    %dma_start3A_16 = arith.constant 0 : i32
    %dma_start3A_17 = tpu.memref_slice %arg6[%dma_start3A_15, %dma_start3A_16] : memref<40x128xi32, #tpu.memory_space<vmem>> -> memref<1x128xi32, #tpu.memory_space<vmem>>
    %dma_start3A_18 = tpu.memref_squeeze %dma_start3A_17 : memref<1x128xi32, #tpu.memory_space<vmem>> -> memref<128xi32, #tpu.memory_space<vmem>>
    %dma_start3A_19 = arith.constant 0 : i32
    %dma_start3A_20 = arith.constant 0 : i32
    %dma_start3A_21 = tpu.memref_slice %arg2[%dma_start3A_19, %dma_start3A_20] : memref<20480x128xf32, #tpu.memory_space<hbm>> -> memref<20480x128xf32, #tpu.memory_space<hbm>>
    tpu.enqueue_indirect_dma source(%dma_start3A_21 : memref<20480x128xf32, #tpu.memory_space<hbm>>) target(%arg9 : memref<128x128xf32, #tpu.memory_space<vmem>>) offsets(%dma_start3A_18 : memref<128xi32, #tpu.memory_space<vmem>>) semaphore(%arg11 : memref<!tpu.dma_semaphore, #tpu.memory_space<semaphore_mem>>)
    %dma_wait3A = arith.constant 38 : i32
    %dma_wait3A_22 = arith.constant 0 : i32
    %dma_wait3A_23 = tpu.memref_slice %arg6[%dma_wait3A, %dma_wait3A_22] : memref<40x128xi32, #tpu.memory_space<vmem>> -> memref<1x128xi32, #tpu.memory_space<vmem>>
    %dma_wait3A_24 = tpu.memref_squeeze %dma_wait3A_23 : memref<1x128xi32, #tpu.memory_space<vmem>> -> memref<128xi32, #tpu.memory_space<vmem>>
    %dma_wait3A_25 = arith.constant 0 : i32
    %dma_wait3A_26 = arith.constant 0 : i32
    %dma_wait3A_27 = tpu.memref_slice %arg2[%dma_wait3A_25, %dma_wait3A_26] : memref<20480x128xf32, #tpu.memory_space<hbm>> -> memref<20480x128xf32, #tpu.memory_space<hbm>>
    tpu.wait_indirect_dma semaphore(%arg10 : memref<!tpu.dma_semaphore, #tpu.memory_space<semaphore_mem>>) src(%dma_wait3A_27 : memref<20480x128xf32, #tpu.memory_space<hbm>>) dst(%arg8 : memref<128x128xf32, #tpu.memory_space<vmem>>)
    %run_scoped3A = arith.constant 38 : i32
    "tpu.region"() ({
      %run_scoped3A_76 = tpu.sem_alloc : memref<!tpu.dma_semaphore, #tpu.memory_space<semaphore_mem>>
      %dma_start3A_77 = arith.constant 0 : i32
      %dma_start3A_78 = tpu.memref_slice %arg7[%run_scoped3A, %dma_start3A_77] : memref<40x128xi32, #tpu.memory_space<vmem>> -> memref<1x128xi32, #tpu.memory_space<vmem>>
      %dma_start3A_79 = tpu.memref_squeeze %dma_start3A_78 : memref<1x128xi32, #tpu.memory_space<vmem>> -> memref<128xi32, #tpu.memory_space<vmem>>
      %dma_start3A_80 = arith.constant 0 : i32
      %dma_start3A_81 = arith.constant 0 : i32
      %dma_start3A_82 = tpu.memref_slice %arg12[%dma_start3A_80, %dma_start3A_81] : memref<10240x128xf32, #tpu.memory_space<vmem_shared>> -> memref<10240x128xf32, #tpu.memory_space<vmem_shared>>
      tpu.enqueue_indirect_dma source(%arg8 : memref<128x128xf32, #tpu.memory_space<vmem>>) target(%dma_start3A_82 : memref<10240x128xf32, #tpu.memory_space<vmem_shared>>) offsets(%dma_start3A_79 : memref<128xi32, #tpu.memory_space<vmem>>) semaphore(%run_scoped3A_76 : memref<!tpu.dma_semaphore, #tpu.memory_space<semaphore_mem>>) {add = true}
      %dma_wait3A_83 = arith.constant 0 : i32
      %dma_wait3A_84 = tpu.memref_slice %arg7[%run_scoped3A, %dma_wait3A_83] : memref<40x128xi32, #tpu.memory_space<vmem>> -> memref<1x128xi32, #tpu.memory_space<vmem>>
      %dma_wait3A_85 = tpu.memref_squeeze %dma_wait3A_84 : memref<1x128xi32, #tpu.memory_space<vmem>> -> memref<128xi32, #tpu.memory_space<vmem>>
      %dma_wait3A_86 = arith.constant 0 : i32
      %dma_wait3A_87 = arith.constant 0 : i32
      %dma_wait3A_88 = tpu.memref_slice %arg12[%dma_wait3A_86, %dma_wait3A_87] : memref<10240x128xf32, #tpu.memory_space<vmem_shared>> -> memref<10240x128xf32, #tpu.memory_space<vmem_shared>>
      tpu.wait_indirect_dma semaphore(%run_scoped3A_76 : memref<!tpu.dma_semaphore, #tpu.memory_space<semaphore_mem>>) src(%arg8 : memref<128x128xf32, #tpu.memory_space<vmem>>) dst(%dma_wait3A_88 : memref<10240x128xf32, #tpu.memory_space<vmem_shared>>)
      tpu.yield
    }) : () -> ()
    %dma_wait3A_28 = arith.constant 39 : i32
    %dma_wait3A_29 = arith.constant 0 : i32
    %dma_wait3A_30 = tpu.memref_slice %arg6[%dma_wait3A_28, %dma_wait3A_29] : memref<40x128xi32, #tpu.memory_space<vmem>> -> memref<1x128xi32, #tpu.memory_space<vmem>>
    %dma_wait3A_31 = tpu.memref_squeeze %dma_wait3A_30 : memref<1x128xi32, #tpu.memory_space<vmem>> -> memref<128xi32, #tpu.memory_space<vmem>>
    %dma_wait3A_32 = arith.constant 0 : i32
    %dma_wait3A_33 = arith.constant 0 : i32
    %dma_wait3A_34 = tpu.memref_slice %arg2[%dma_wait3A_32, %dma_wait3A_33] : memref<20480x128xf32, #tpu.memory_space<hbm>> -> memref<20480x128xf32, #tpu.memory_space<hbm>>
    tpu.wait_indirect_dma semaphore(%arg11 : memref<!tpu.dma_semaphore, #tpu.memory_space<semaphore_mem>>) src(%dma_wait3A_34 : memref<20480x128xf32, #tpu.memory_space<hbm>>) dst(%arg9 : memref<128x128xf32, #tpu.memory_space<vmem>>)
    %run_scoped3A_35 = arith.constant 39 : i32
    "tpu.region"() ({
      %run_scoped3A_76 = tpu.sem_alloc : memref<!tpu.dma_semaphore, #tpu.memory_space<semaphore_mem>>
      %dma_start3A_77 = arith.constant 0 : i32
      %dma_start3A_78 = tpu.memref_slice %arg7[%run_scoped3A_35, %dma_start3A_77] : memref<40x128xi32, #tpu.memory_space<vmem>> -> memref<1x128xi32, #tpu.memory_space<vmem>>
      %dma_start3A_79 = tpu.memref_squeeze %dma_start3A_78 : memref<1x128xi32, #tpu.memory_space<vmem>> -> memref<128xi32, #tpu.memory_space<vmem>>
      %dma_start3A_80 = arith.constant 0 : i32
      %dma_start3A_81 = arith.constant 0 : i32
      %dma_start3A_82 = tpu.memref_slice %arg12[%dma_start3A_80, %dma_start3A_81] : memref<10240x128xf32, #tpu.memory_space<vmem_shared>> -> memref<10240x128xf32, #tpu.memory_space<vmem_shared>>
      tpu.enqueue_indirect_dma source(%arg9 : memref<128x128xf32, #tpu.memory_space<vmem>>) target(%dma_start3A_82 : memref<10240x128xf32, #tpu.memory_space<vmem_shared>>) offsets(%dma_start3A_79 : memref<128xi32, #tpu.memory_space<vmem>>) semaphore(%run_scoped3A_76 : memref<!tpu.dma_semaphore, #tpu.memory_space<semaphore_mem>>) {add = true}
      %dma_wait3A_83 = arith.constant 0 : i32
      %dma_wait3A_84 = tpu.memref_slice %arg7[%run_scoped3A_35, %dma_wait3A_83] : memref<40x128xi32, #tpu.memory_space<vmem>> -> memref<1x128xi32, #tpu.memory_space<vmem>>
      %dma_wait3A_85 = tpu.memref_squeeze %dma_wait3A_84 : memref<1x128xi32, #tpu.memory_space<vmem>> -> memref<128xi32, #tpu.memory_space<vmem>>
      %dma_wait3A_86 = arith.constant 0 : i32
      %dma_wait3A_87 = arith.constant 0 : i32
      %dma_wait3A_88 = tpu.memref_slice %arg12[%dma_wait3A_86, %dma_wait3A_87] : memref<10240x128xf32, #tpu.memory_space<vmem_shared>> -> memref<10240x128xf32, #tpu.memory_space<vmem_shared>>
      tpu.wait_indirect_dma semaphore(%run_scoped3A_76 : memref<!tpu.dma_semaphore, #tpu.memory_space<semaphore_mem>>) src(%arg9 : memref<128x128xf32, #tpu.memory_space<vmem>>) dst(%dma_wait3A_88 : memref<10240x128xf32, #tpu.memory_space<vmem_shared>>)
      tpu.yield
    }) : () -> ()
    "tpu.region"() ({
      %run_scoped3A_76 = tpu.sem_alloc : memref<!tpu.dma_semaphore, #tpu.memory_space<semaphore_mem>>
      %dma_start3A_77 = arith.constant 40 : i32
      %dma_start3A_78 = arith.constant 0 : i32
      %dma_start3A_79 = tpu.memref_slice %arg3[%arg0, %arg1, %dma_start3A_77, %dma_start3A_78] : memref<2x16x80x128xi32, #tpu.memory_space<hbm>> -> memref<1x1x40x128xi32, #tpu.memory_space<hbm>>
      %dma_start3A_80 = tpu.memref_squeeze %dma_start3A_79 : memref<1x1x40x128xi32, #tpu.memory_space<hbm>> -> memref<40x128xi32, #tpu.memory_space<hbm>>
      %dma_start3A_81 = arith.constant 40 : i32
      %dma_start3A_82 = arith.constant 0 : i32
      %dma_start3A_83 = tpu.memref_slice %arg3[%arg0, %arg1, %dma_start3A_81, %dma_start3A_82] : memref<2x16x80x128xi32, #tpu.memory_space<hbm>> -> memref<1x1x40x128xi32, #tpu.memory_space<hbm>>
      %dma_start3A_84 = tpu.memref_squeeze %dma_start3A_83 : memref<1x1x40x128xi32, #tpu.memory_space<hbm>> -> memref<40x128xi32, #tpu.memory_space<hbm>>
      tpu.enqueue_dma source(%dma_start3A_84 : memref<40x128xi32, #tpu.memory_space<hbm>>) target(%arg6 : memref<40x128xi32, #tpu.memory_space<vmem>>) target_semaphore(%run_scoped3A_76 : memref<!tpu.dma_semaphore, #tpu.memory_space<semaphore_mem>>)
      %dma_wait3A_85 = arith.constant 40 : i32
      %dma_wait3A_86 = arith.constant 0 : i32
      %dma_wait3A_87 = tpu.memref_slice %arg3[%arg0, %arg1, %dma_wait3A_85, %dma_wait3A_86] : memref<2x16x80x128xi32, #tpu.memory_space<hbm>> -> memref<1x1x40x128xi32, #tpu.memory_space<hbm>>
      %dma_wait3A_88 = tpu.memref_squeeze %dma_wait3A_87 : memref<1x1x40x128xi32, #tpu.memory_space<hbm>> -> memref<40x128xi32, #tpu.memory_space<hbm>>
      %dma_wait3A_89 = arith.constant 40 : i32
      %dma_wait3A_90 = arith.constant 0 : i32
      %dma_wait3A_91 = tpu.memref_slice %arg3[%arg0, %arg1, %dma_wait3A_89, %dma_wait3A_90] : memref<2x16x80x128xi32, #tpu.memory_space<hbm>> -> memref<1x1x40x128xi32, #tpu.memory_space<hbm>>
      %dma_wait3A_92 = tpu.memref_squeeze %dma_wait3A_91 : memref<1x1x40x128xi32, #tpu.memory_space<hbm>> -> memref<40x128xi32, #tpu.memory_space<hbm>>
      tpu.wait_dma2 semaphore(%run_scoped3A_76 : memref<!tpu.dma_semaphore, #tpu.memory_space<semaphore_mem>>) src(%dma_wait3A_92 : memref<40x128xi32, #tpu.memory_space<hbm>>) dst(%arg6 : memref<40x128xi32, #tpu.memory_space<vmem>>)
      tpu.yield
    }) : () -> ()
    "tpu.region"() ({
      %run_scoped3A_76 = tpu.sem_alloc : memref<!tpu.dma_semaphore, #tpu.memory_space<semaphore_mem>>
      %dma_start3A_77 = arith.constant 40 : i32
      %dma_start3A_78 = arith.constant 0 : i32
      %dma_start3A_79 = tpu.memref_slice %arg4[%arg1, %dma_start3A_77, %dma_start3A_78] : memref<16x80x128xi32, #tpu.memory_space<hbm>> -> memref<1x40x128xi32, #tpu.memory_space<hbm>>
      %dma_start3A_80 = tpu.memref_squeeze %dma_start3A_79 : memref<1x40x128xi32, #tpu.memory_space<hbm>> -> memref<40x128xi32, #tpu.memory_space<hbm>>
      %dma_start3A_81 = arith.constant 40 : i32
      %dma_start3A_82 = arith.constant 0 : i32
      %dma_start3A_83 = tpu.memref_slice %arg4[%arg1, %dma_start3A_81, %dma_start3A_82] : memref<16x80x128xi32, #tpu.memory_space<hbm>> -> memref<1x40x128xi32, #tpu.memory_space<hbm>>
      %dma_start3A_84 = tpu.memref_squeeze %dma_start3A_83 : memref<1x40x128xi32, #tpu.memory_space<hbm>> -> memref<40x128xi32, #tpu.memory_space<hbm>>
      tpu.enqueue_dma source(%dma_start3A_84 : memref<40x128xi32, #tpu.memory_space<hbm>>) target(%arg7 : memref<40x128xi32, #tpu.memory_space<vmem>>) target_semaphore(%run_scoped3A_76 : memref<!tpu.dma_semaphore, #tpu.memory_space<semaphore_mem>>)
      %dma_wait3A_85 = arith.constant 40 : i32
      %dma_wait3A_86 = arith.constant 0 : i32
      %dma_wait3A_87 = tpu.memref_slice %arg4[%arg1, %dma_wait3A_85, %dma_wait3A_86] : memref<16x80x128xi32, #tpu.memory_space<hbm>> -> memref<1x40x128xi32, #tpu.memory_space<hbm>>
      %dma_wait3A_88 = tpu.memref_squeeze %dma_wait3A_87 : memref<1x40x128xi32, #tpu.memory_space<hbm>> -> memref<40x128xi32, #tpu.memory_space<hbm>>
      %dma_wait3A_89 = arith.constant 40 : i32
      %dma_wait3A_90 = arith.constant 0 : i32
      %dma_wait3A_91 = tpu.memref_slice %arg4[%arg1, %dma_wait3A_89, %dma_wait3A_90] : memref<16x80x128xi32, #tpu.memory_space<hbm>> -> memref<1x40x128xi32, #tpu.memory_space<hbm>>
      %dma_wait3A_92 = tpu.memref_squeeze %dma_wait3A_91 : memref<1x40x128xi32, #tpu.memory_space<hbm>> -> memref<40x128xi32, #tpu.memory_space<hbm>>
      tpu.wait_dma2 semaphore(%run_scoped3A_76 : memref<!tpu.dma_semaphore, #tpu.memory_space<semaphore_mem>>) src(%dma_wait3A_92 : memref<40x128xi32, #tpu.memory_space<hbm>>) dst(%arg7 : memref<40x128xi32, #tpu.memory_space<vmem>>)
      tpu.yield
    }) : () -> ()
    %dma_start3A_36 = arith.constant 0 : i32
    %dma_start3A_37 = arith.constant 0 : i32
    %dma_start3A_38 = tpu.memref_slice %arg6[%dma_start3A_36, %dma_start3A_37] : memref<40x128xi32, #tpu.memory_space<vmem>> -> memref<1x128xi32, #tpu.memory_space<vmem>>
    %dma_start3A_39 = tpu.memref_squeeze %dma_start3A_38 : memref<1x128xi32, #tpu.memory_space<vmem>> -> memref<128xi32, #tpu.memory_space<vmem>>
    %dma_start3A_40 = arith.constant 0 : i32
    %dma_start3A_41 = arith.constant 0 : i32
    %dma_start3A_42 = tpu.memref_slice %arg2[%dma_start3A_40, %dma_start3A_41] : memref<20480x128xf32, #tpu.memory_space<hbm>> -> memref<20480x128xf32, #tpu.memory_space<hbm>>
    tpu.enqueue_indirect_dma source(%dma_start3A_42 : memref<20480x128xf32, #tpu.memory_space<hbm>>) target(%arg8 : memref<128x128xf32, #tpu.memory_space<vmem>>) offsets(%dma_start3A_39 : memref<128xi32, #tpu.memory_space<vmem>>) semaphore(%arg10 : memref<!tpu.dma_semaphore, #tpu.memory_space<semaphore_mem>>)
    %scan3A_43 = arith.constant 0 : i32
    %scan3A_44 = arith.constant 19 : i32
    %scan3A_45 = arith.addi %scan3A_43, %scan3A_44 : i32
    %scan3A_46 = arith.constant 1 : i32
    scf.for %scan3A_76 = %scan3A_43 to %scan3A_45 step %scan3A_46  : i32 {
      %mul3A_77 = arith.constant 2 : i32
      %mul3A_78 = arith.muli %scan3A_76, %mul3A_77 : i32
      %add3A_79 = arith.constant 1 : i32
      %add3A_80 = arith.addi %mul3A_78, %add3A_79 : i32
      %dma_start3A_81 = arith.constant 0 : i32
      %dma_start3A_82 = tpu.memref_slice %arg6[%add3A_80, %dma_start3A_81] : memref<40x128xi32, #tpu.memory_space<vmem>> -> memref<1x128xi32, #tpu.memory_space<vmem>>
      %dma_start3A_83 = tpu.memref_squeeze %dma_start3A_82 : memref<1x128xi32, #tpu.memory_space<vmem>> -> memref<128xi32, #tpu.memory_space<vmem>>
      %dma_start3A_84 = arith.constant 0 : i32
      %dma_start3A_85 = arith.constant 0 : i32
      %dma_start3A_86 = tpu.memref_slice %arg2[%dma_start3A_84, %dma_start3A_85] : memref<20480x128xf32, #tpu.memory_space<hbm>> -> memref<20480x128xf32, #tpu.memory_space<hbm>>
      tpu.enqueue_indirect_dma source(%dma_start3A_86 : memref<20480x128xf32, #tpu.memory_space<hbm>>) target(%arg9 : memref<128x128xf32, #tpu.memory_space<vmem>>) offsets(%dma_start3A_83 : memref<128xi32, #tpu.memory_space<vmem>>) semaphore(%arg11 : memref<!tpu.dma_semaphore, #tpu.memory_space<semaphore_mem>>)
      %dma_wait3A_87 = arith.constant 0 : i32
      %dma_wait3A_88 = tpu.memref_slice %arg6[%mul3A_78, %dma_wait3A_87] : memref<40x128xi32, #tpu.memory_space<vmem>> -> memref<1x128xi32, #tpu.memory_space<vmem>>
      %dma_wait3A_89 = tpu.memref_squeeze %dma_wait3A_88 : memref<1x128xi32, #tpu.memory_space<vmem>> -> memref<128xi32, #tpu.memory_space<vmem>>
      %dma_wait3A_90 = arith.constant 0 : i32
      %dma_wait3A_91 = arith.constant 0 : i32
      %dma_wait3A_92 = tpu.memref_slice %arg2[%dma_wait3A_90, %dma_wait3A_91] : memref<20480x128xf32, #tpu.memory_space<hbm>> -> memref<20480x128xf32, #tpu.memory_space<hbm>>
      tpu.wait_indirect_dma semaphore(%arg10 : memref<!tpu.dma_semaphore, #tpu.memory_space<semaphore_mem>>) src(%dma_wait3A_92 : memref<20480x128xf32, #tpu.memory_space<hbm>>) dst(%arg8 : memref<128x128xf32, #tpu.memory_space<vmem>>)
      "tpu.region"() ({
        %run_scoped3A_111 = tpu.sem_alloc : memref<!tpu.dma_semaphore, #tpu.memory_space<semaphore_mem>>
        %dma_start3A_112 = arith.constant 0 : i32
        %dma_start3A_113 = tpu.memref_slice %arg7[%mul3A_78, %dma_start3A_112] : memref<40x128xi32, #tpu.memory_space<vmem>> -> memref<1x128xi32, #tpu.memory_space<vmem>>
        %dma_start3A_114 = tpu.memref_squeeze %dma_start3A_113 : memref<1x128xi32, #tpu.memory_space<vmem>> -> memref<128xi32, #tpu.memory_space<vmem>>
        %dma_start3A_115 = arith.constant 0 : i32
        %dma_start3A_116 = arith.constant 0 : i32
        %dma_start3A_117 = tpu.memref_slice %arg12[%dma_start3A_115, %dma_start3A_116] : memref<10240x128xf32, #tpu.memory_space<vmem_shared>> -> memref<10240x128xf32, #tpu.memory_space<vmem_shared>>
        tpu.enqueue_indirect_dma source(%arg8 : memref<128x128xf32, #tpu.memory_space<vmem>>) target(%dma_start3A_117 : memref<10240x128xf32, #tpu.memory_space<vmem_shared>>) offsets(%dma_start3A_114 : memref<128xi32, #tpu.memory_space<vmem>>) semaphore(%run_scoped3A_111 : memref<!tpu.dma_semaphore, #tpu.memory_space<semaphore_mem>>) {add = true}
        %dma_wait3A_118 = arith.constant 0 : i32
        %dma_wait3A_119 = tpu.memref_slice %arg7[%mul3A_78, %dma_wait3A_118] : memref<40x128xi32, #tpu.memory_space<vmem>> -> memref<1x128xi32, #tpu.memory_space<vmem>>
        %dma_wait3A_120 = tpu.memref_squeeze %dma_wait3A_119 : memref<1x128xi32, #tpu.memory_space<vmem>> -> memref<128xi32, #tpu.memory_space<vmem>>
        %dma_wait3A_121 = arith.constant 0 : i32
        %dma_wait3A_122 = arith.constant 0 : i32
        %dma_wait3A_123 = tpu.memref_slice %arg12[%dma_wait3A_121, %dma_wait3A_122] : memref<10240x128xf32, #tpu.memory_space<vmem_shared>> -> memref<10240x128xf32, #tpu.memory_space<vmem_shared>>
        tpu.wait_indirect_dma semaphore(%run_scoped3A_111 : memref<!tpu.dma_semaphore, #tpu.memory_space<semaphore_mem>>) src(%arg8 : memref<128x128xf32, #tpu.memory_space<vmem>>) dst(%dma_wait3A_123 : memref<10240x128xf32, #tpu.memory_space<vmem_shared>>)
        tpu.yield
      }) : () -> ()
      %add3A_93 = arith.constant 2 : i32
      %add3A_94 = arith.addi %mul3A_78, %add3A_93 : i32
      %dma_start3A_95 = arith.constant 0 : i32
      %dma_start3A_96 = tpu.memref_slice %arg6[%add3A_94, %dma_start3A_95] : memref<40x128xi32, #tpu.memory_space<vmem>> -> memref<1x128xi32, #tpu.memory_space<vmem>>
      %dma_start3A_97 = tpu.memref_squeeze %dma_start3A_96 : memref<1x128xi32, #tpu.memory_space<vmem>> -> memref<128xi32, #tpu.memory_space<vmem>>
      %dma_start3A_98 = arith.constant 0 : i32
      %dma_start3A_99 = arith.constant 0 : i32
      %dma_start3A_100 = tpu.memref_slice %arg2[%dma_start3A_98, %dma_start3A_99] : memref<20480x128xf32, #tpu.memory_space<hbm>> -> memref<20480x128xf32, #tpu.memory_space<hbm>>
      tpu.enqueue_indirect_dma source(%dma_start3A_100 : memref<20480x128xf32, #tpu.memory_space<hbm>>) target(%arg8 : memref<128x128xf32, #tpu.memory_space<vmem>>) offsets(%dma_start3A_97 : memref<128xi32, #tpu.memory_space<vmem>>) semaphore(%arg10 : memref<!tpu.dma_semaphore, #tpu.memory_space<semaphore_mem>>)
      %add3A_101 = arith.constant 1 : i32
      %add3A_102 = arith.addi %mul3A_78, %add3A_101 : i32
      %dma_wait3A_103 = arith.constant 0 : i32
      %dma_wait3A_104 = tpu.memref_slice %arg6[%add3A_102, %dma_wait3A_103] : memref<40x128xi32, #tpu.memory_space<vmem>> -> memref<1x128xi32, #tpu.memory_space<vmem>>
      %dma_wait3A_105 = tpu.memref_squeeze %dma_wait3A_104 : memref<1x128xi32, #tpu.memory_space<vmem>> -> memref<128xi32, #tpu.memory_space<vmem>>
      %dma_wait3A_106 = arith.constant 0 : i32
      %dma_wait3A_107 = arith.constant 0 : i32
      %dma_wait3A_108 = tpu.memref_slice %arg2[%dma_wait3A_106, %dma_wait3A_107] : memref<20480x128xf32, #tpu.memory_space<hbm>> -> memref<20480x128xf32, #tpu.memory_space<hbm>>
      tpu.wait_indirect_dma semaphore(%arg11 : memref<!tpu.dma_semaphore, #tpu.memory_space<semaphore_mem>>) src(%dma_wait3A_108 : memref<20480x128xf32, #tpu.memory_space<hbm>>) dst(%arg9 : memref<128x128xf32, #tpu.memory_space<vmem>>)
      %add3A_109 = arith.constant 1 : i32
      %add3A_110 = arith.addi %mul3A_78, %add3A_109 : i32
      "tpu.region"() ({
        %run_scoped3A_111 = tpu.sem_alloc : memref<!tpu.dma_semaphore, #tpu.memory_space<semaphore_mem>>
        %dma_start3A_112 = arith.constant 0 : i32
        %dma_start3A_113 = tpu.memref_slice %arg7[%add3A_110, %dma_start3A_112] : memref<40x128xi32, #tpu.memory_space<vmem>> -> memref<1x128xi32, #tpu.memory_space<vmem>>
        %dma_start3A_114 = tpu.memref_squeeze %dma_start3A_113 : memref<1x128xi32, #tpu.memory_space<vmem>> -> memref<128xi32, #tpu.memory_space<vmem>>
        %dma_start3A_115 = arith.constant 0 : i32
        %dma_start3A_116 = arith.constant 0 : i32
        %dma_start3A_117 = tpu.memref_slice %arg12[%dma_start3A_115, %dma_start3A_116] : memref<10240x128xf32, #tpu.memory_space<vmem_shared>> -> memref<10240x128xf32, #tpu.memory_space<vmem_shared>>
        tpu.enqueue_indirect_dma source(%arg9 : memref<128x128xf32, #tpu.memory_space<vmem>>) target(%dma_start3A_117 : memref<10240x128xf32, #tpu.memory_space<vmem_shared>>) offsets(%dma_start3A_114 : memref<128xi32, #tpu.memory_space<vmem>>) semaphore(%run_scoped3A_111 : memref<!tpu.dma_semaphore, #tpu.memory_space<semaphore_mem>>) {add = true}
        %dma_wait3A_118 = arith.constant 0 : i32
        %dma_wait3A_119 = tpu.memref_slice %arg7[%add3A_110, %dma_wait3A_118] : memref<40x128xi32, #tpu.memory_space<vmem>> -> memref<1x128xi32, #tpu.memory_space<vmem>>
        %dma_wait3A_120 = tpu.memref_squeeze %dma_wait3A_119 : memref<1x128xi32, #tpu.memory_space<vmem>> -> memref<128xi32, #tpu.memory_space<vmem>>
        %dma_wait3A_121 = arith.constant 0 : i32
        %dma_wait3A_122 = arith.constant 0 : i32
        %dma_wait3A_123 = tpu.memref_slice %arg12[%dma_wait3A_121, %dma_wait3A_122] : memref<10240x128xf32, #tpu.memory_space<vmem_shared>> -> memref<10240x128xf32, #tpu.memory_space<vmem_shared>>
        tpu.wait_indirect_dma semaphore(%run_scoped3A_111 : memref<!tpu.dma_semaphore, #tpu.memory_space<semaphore_mem>>) src(%arg9 : memref<128x128xf32, #tpu.memory_space<vmem>>) dst(%dma_wait3A_123 : memref<10240x128xf32, #tpu.memory_space<vmem_shared>>)
        tpu.yield
      }) : () -> ()
    }
    %scan3A_47 = arith.constant 19 : i32
    %dma_start3A_48 = arith.constant 39 : i32
    %dma_start3A_49 = arith.constant 0 : i32
    %dma_start3A_50 = tpu.memref_slice %arg6[%dma_start3A_48, %dma_start3A_49] : memref<40x128xi32, #tpu.memory_space<vmem>> -> memref<1x128xi32, #tpu.memory_space<vmem>>
    %dma_start3A_51 = tpu.memref_squeeze %dma_start3A_50 : memref<1x128xi32, #tpu.memory_space<vmem>> -> memref<128xi32, #tpu.memory_space<vmem>>
    %dma_start3A_52 = arith.constant 0 : i32
    %dma_start3A_53 = arith.constant 0 : i32
    %dma_start3A_54 = tpu.memref_slice %arg2[%dma_start3A_52, %dma_start3A_53] : memref<20480x128xf32, #tpu.memory_space<hbm>> -> memref<20480x128xf32, #tpu.memory_space<hbm>>
    tpu.enqueue_indirect_dma source(%dma_start3A_54 : memref<20480x128xf32, #tpu.memory_space<hbm>>) target(%arg9 : memref<128x128xf32, #tpu.memory_space<vmem>>) offsets(%dma_start3A_51 : memref<128xi32, #tpu.memory_space<vmem>>) semaphore(%arg11 : memref<!tpu.dma_semaphore, #tpu.memory_space<semaphore_mem>>)
    %dma_wait3A_55 = arith.constant 38 : i32
    %dma_wait3A_56 = arith.constant 0 : i32
    %dma_wait3A_57 = tpu.memref_slice %arg6[%dma_wait3A_55, %dma_wait3A_56] : memref<40x128xi32, #tpu.memory_space<vmem>> -> memref<1x128xi32, #tpu.memory_space<vmem>>
    %dma_wait3A_58 = tpu.memref_squeeze %dma_wait3A_57 : memref<1x128xi32, #tpu.memory_space<vmem>> -> memref<128xi32, #tpu.memory_space<vmem>>
    %dma_wait3A_59 = arith.constant 0 : i32
    %dma_wait3A_60 = arith.constant 0 : i32
    %dma_wait3A_61 = tpu.memref_slice %arg2[%dma_wait3A_59, %dma_wait3A_60] : memref<20480x128xf32, #tpu.memory_space<hbm>> -> memref<20480x128xf32, #tpu.memory_space<hbm>>
    tpu.wait_indirect_dma semaphore(%arg10 : memref<!tpu.dma_semaphore, #tpu.memory_space<semaphore_mem>>) src(%dma_wait3A_61 : memref<20480x128xf32, #tpu.memory_space<hbm>>) dst(%arg8 : memref<128x128xf32, #tpu.memory_space<vmem>>)
    %run_scoped3A_62 = arith.constant 38 : i32
    "tpu.region"() ({
      %run_scoped3A_76 = tpu.sem_alloc : memref<!tpu.dma_semaphore, #tpu.memory_space<semaphore_mem>>
      %dma_start3A_77 = arith.constant 0 : i32
      %dma_start3A_78 = tpu.memref_slice %arg7[%run_scoped3A_62, %dma_start3A_77] : memref<40x128xi32, #tpu.memory_space<vmem>> -> memref<1x128xi32, #tpu.memory_space<vmem>>
      %dma_start3A_79 = tpu.memref_squeeze %dma_start3A_78 : memref<1x128xi32, #tpu.memory_space<vmem>> -> memref<128xi32, #tpu.memory_space<vmem>>
      %dma_start3A_80 = arith.constant 0 : i32
      %dma_start3A_81 = arith.constant 0 : i32
      %dma_start3A_82 = tpu.memref_slice %arg12[%dma_start3A_80, %dma_start3A_81] : memref<10240x128xf32, #tpu.memory_space<vmem_shared>> -> memref<10240x128xf32, #tpu.memory_space<vmem_shared>>
      tpu.enqueue_indirect_dma source(%arg8 : memref<128x128xf32, #tpu.memory_space<vmem>>) target(%dma_start3A_82 : memref<10240x128xf32, #tpu.memory_space<vmem_shared>>) offsets(%dma_start3A_79 : memref<128xi32, #tpu.memory_space<vmem>>) semaphore(%run_scoped3A_76 : memref<!tpu.dma_semaphore, #tpu.memory_space<semaphore_mem>>) {add = true}
      %dma_wait3A_83 = arith.constant 0 : i32
      %dma_wait3A_84 = tpu.memref_slice %arg7[%run_scoped3A_62, %dma_wait3A_83] : memref<40x128xi32, #tpu.memory_space<vmem>> -> memref<1x128xi32, #tpu.memory_space<vmem>>
      %dma_wait3A_85 = tpu.memref_squeeze %dma_wait3A_84 : memref<1x128xi32, #tpu.memory_space<vmem>> -> memref<128xi32, #tpu.memory_space<vmem>>
      %dma_wait3A_86 = arith.constant 0 : i32
      %dma_wait3A_87 = arith.constant 0 : i32
      %dma_wait3A_88 = tpu.memref_slice %arg12[%dma_wait3A_86, %dma_wait3A_87] : memref<10240x128xf32, #tpu.memory_space<vmem_shared>> -> memref<10240x128xf32, #tpu.memory_space<vmem_shared>>
      tpu.wait_indirect_dma semaphore(%run_scoped3A_76 : memref<!tpu.dma_semaphore, #tpu.memory_space<semaphore_mem>>) src(%arg8 : memref<128x128xf32, #tpu.memory_space<vmem>>) dst(%dma_wait3A_88 : memref<10240x128xf32, #tpu.memory_space<vmem_shared>>)
      tpu.yield
    }) : () -> ()
    %dma_wait3A_63 = arith.constant 39 : i32
    %dma_wait3A_64 = arith.constant 0 : i32
    %dma_wait3A_65 = tpu.memref_slice %arg6[%dma_wait3A_63, %dma_wait3A_64] : memref<40x128xi32, #tpu.memory_space<vmem>> -> memref<1x128xi32, #tpu.memory_space<vmem>>
    %dma_wait3A_66 = tpu.memref_squeeze %dma_wait3A_65 : memref<1x128xi32, #tpu.memory_space<vmem>> -> memref<128xi32, #tpu.memory_space<vmem>>
    %dma_wait3A_67 = arith.constant 0 : i32
    %dma_wait3A_68 = arith.constant 0 : i32
    %dma_wait3A_69 = tpu.memref_slice %arg2[%dma_wait3A_67, %dma_wait3A_68] : memref<20480x128xf32, #tpu.memory_space<hbm>> -> memref<20480x128xf32, #tpu.memory_space<hbm>>
    tpu.wait_indirect_dma semaphore(%arg11 : memref<!tpu.dma_semaphore, #tpu.memory_space<semaphore_mem>>) src(%dma_wait3A_69 : memref<20480x128xf32, #tpu.memory_space<hbm>>) dst(%arg9 : memref<128x128xf32, #tpu.memory_space<vmem>>)
    %run_scoped3A_70 = arith.constant 39 : i32
    "tpu.region"() ({
      %run_scoped3A_76 = tpu.sem_alloc : memref<!tpu.dma_semaphore, #tpu.memory_space<semaphore_mem>>
      %dma_start3A_77 = arith.constant 0 : i32
      %dma_start3A_78 = tpu.memref_slice %arg7[%run_scoped3A_70, %dma_start3A_77] : memref<40x128xi32, #tpu.memory_space<vmem>> -> memref<1x128xi32, #tpu.memory_space<vmem>>
      %dma_start3A_79 = tpu.memref_squeeze %dma_start3A_78 : memref<1x128xi32, #tpu.memory_space<vmem>> -> memref<128xi32, #tpu.memory_space<vmem>>
      %dma_start3A_80 = arith.constant 0 : i32
      %dma_start3A_81 = arith.constant 0 : i32
      %dma_start3A_82 = tpu.memref_slice %arg12[%dma_start3A_80, %dma_start3A_81] : memref<10240x128xf32, #tpu.memory_space<vmem_shared>> -> memref<10240x128xf32, #tpu.memory_space<vmem_shared>>
      tpu.enqueue_indirect_dma source(%arg9 : memref<128x128xf32, #tpu.memory_space<vmem>>) target(%dma_start3A_82 : memref<10240x128xf32, #tpu.memory_space<vmem_shared>>) offsets(%dma_start3A_79 : memref<128xi32, #tpu.memory_space<vmem>>) semaphore(%run_scoped3A_76 : memref<!tpu.dma_semaphore, #tpu.memory_space<semaphore_mem>>) {add = true}
      %dma_wait3A_83 = arith.constant 0 : i32
      %dma_wait3A_84 = tpu.memref_slice %arg7[%run_scoped3A_70, %dma_wait3A_83] : memref<40x128xi32, #tpu.memory_space<vmem>> -> memref<1x128xi32, #tpu.memory_space<vmem>>
      %dma_wait3A_85 = tpu.memref_squeeze %dma_wait3A_84 : memref<1x128xi32, #tpu.memory_space<vmem>> -> memref<128xi32, #tpu.memory_space<vmem>>
      %dma_wait3A_86 = arith.constant 0 : i32
      %dma_wait3A_87 = arith.constant 0 : i32
      %dma_wait3A_88 = tpu.memref_slice %arg12[%dma_wait3A_86, %dma_wait3A_87] : memref<10240x128xf32, #tpu.memory_space<vmem_shared>> -> memref<10240x128xf32, #tpu.memory_space<vmem_shared>>
      tpu.wait_indirect_dma semaphore(%run_scoped3A_76 : memref<!tpu.dma_semaphore, #tpu.memory_space<semaphore_mem>>) src(%arg9 : memref<128x128xf32, #tpu.memory_space<vmem>>) dst(%dma_wait3A_88 : memref<10240x128xf32, #tpu.memory_space<vmem_shared>>)
      tpu.yield
    }) : () -> ()
    %barrier3A_71 = arith.constant 0 : index
    tpu.barrier barrier_id(%barrier3A_71)
    %mul3A_72 = arith.constant 640 : i32
    %mul3A_73 = arith.muli %arg1, %mul3A_72 : i32
    %mul3A_74 = arith.constant 640 : i32
    %mul3A_75 = arith.muli %arg1, %mul3A_74 : i32
    "tpu.region"() ({
      %run_scoped3A_76 = tpu.sem_alloc : memref<!tpu.dma_semaphore, #tpu.memory_space<semaphore_mem>>
      %dma_start3A_77 = arith.constant 0 : i32
      %dma_start3A_78 = tpu.memref_slice %arg5[%arg0, %mul3A_75, %dma_start3A_77] : memref<2x10240x128xf32, #tpu.memory_space<hbm>> -> memref<1x640x128xf32, #tpu.memory_space<hbm>>
      %dma_start3A_79 = tpu.memref_squeeze %dma_start3A_78 : memref<1x640x128xf32, #tpu.memory_space<hbm>> -> memref<640x128xf32, #tpu.memory_space<hbm>>
      %dma_start3A_80 = arith.constant 0 : i32
      %dma_start3A_81 = tpu.memref_slice %arg12[%mul3A_73, %dma_start3A_80] : memref<10240x128xf32, #tpu.memory_space<vmem_shared>> -> memref<640x128xf32, #tpu.memory_space<vmem_shared>>
      tpu.enqueue_dma source(%dma_start3A_81 : memref<640x128xf32, #tpu.memory_space<vmem_shared>>) target(%dma_start3A_79 : memref<640x128xf32, #tpu.memory_space<hbm>>) target_semaphore(%run_scoped3A_76 : memref<!tpu.dma_semaphore, #tpu.memory_space<semaphore_mem>>)
      %dma_wait3A_82 = arith.constant 0 : i32
      %dma_wait3A_83 = tpu.memref_slice %arg5[%arg0, %mul3A_75, %dma_wait3A_82] : memref<2x10240x128xf32, #tpu.memory_space<hbm>> -> memref<1x640x128xf32, #tpu.memory_space<hbm>>
      %dma_wait3A_84 = tpu.memref_squeeze %dma_wait3A_83 : memref<1x640x128xf32, #tpu.memory_space<hbm>> -> memref<640x128xf32, #tpu.memory_space<hbm>>
      %dma_wait3A_85 = arith.constant 0 : i32
      %dma_wait3A_86 = tpu.memref_slice %arg12[%mul3A_73, %dma_wait3A_85] : memref<10240x128xf32, #tpu.memory_space<vmem_shared>> -> memref<640x128xf32, #tpu.memory_space<vmem_shared>>
      tpu.wait_dma2 semaphore(%run_scoped3A_76 : memref<!tpu.dma_semaphore, #tpu.memory_space<semaphore_mem>>) src(%dma_wait3A_86 : memref<640x128xf32, #tpu.memory_space<vmem_shared>>) dst(%dma_wait3A_84 : memref<640x128xf32, #tpu.memory_space<hbm>>)
      tpu.yield
    }) : () -> ()
    return
  }
}

module attributes {stable_mosaic.version = 14 : i64} {
  func.func @_lin_body(%arg0: i32, %arg1: memref<2048x256xf32, #tpu.memory_space<vmem>>, %arg2: memref<256x256xf32, #tpu.memory_space<vmem>>, %arg3: memref<1x1x2048xf32, #tpu.memory_space<vmem>>, %arg4: memref<1x1x2048xf32, #tpu.memory_space<vmem>>, %arg5: memref<2x2048x128xf32, #tpu.memory_space<vmem>>, %arg6: memref<1x1x2048xf32, #tpu.memory_space<vmem>>) attributes {dimension_semantics = [#tpu.dimension_semantics<arbitrary>], iteration_bounds = array<i64: 5>, scalar_prefetch = 0 : i64, scratch_operands = 0 : i64, tpu.core_type = #tpu.core_type<tc>, window_params = [{transform_indices = @transform_0, window_bounds = array<i64: 2048, 256>}, {pipeline_mode = #tpu.pipeline_mode<synchronous>, transform_indices = @transform_1, window_bounds = array<i64: 256, 256>}, {transform_indices = @transform_2, window_bounds = array<i64: 1, 1, 2048>}, {transform_indices = @transform_3, window_bounds = array<i64: 1, 1, 2048>}, {transform_indices = @transform_4, window_bounds = array<i64: 2, 2048, 128>}, {transform_indices = @transform_5, window_bounds = array<i64: 1, 1, 2048>}]} {
    %get3A = arith.constant 0 : index
    %get3A_0 = arith.constant 0 : index
    %get3A_1 = arith.constant 0 : index
    %get3A_2 = vector.load %arg3[%get3A, %get3A_0, %get3A_1] : memref<1x1x2048xf32, #tpu.memory_space<vmem>>, vector<1x1x2048xf32>
    %get3A_3 = vector.shape_cast %get3A_2 : vector<1x1x2048xf32> to vector<2048xf32>
    %get3A_4 = arith.constant 0 : index
    %get3A_5 = arith.constant 0 : index
    %get3A_6 = arith.constant 0 : index
    %get3A_7 = vector.load %arg4[%get3A_4, %get3A_5, %get3A_6] : memref<1x1x2048xf32, #tpu.memory_space<vmem>>, vector<1x1x2048xf32>
    %get3A_8 = vector.shape_cast %get3A_7 : vector<1x1x2048xf32> to vector<2048xf32>
    %add3A = arith.addf %get3A_3, %get3A_8 : vector<2048xf32>
    %add3A_9 = arith.constant 1.000000e+00 : f32
    %add3A_10 = vector.broadcast %add3A_9 : f32 to vector<2048xf32>
    %add3A_11 = arith.addf %add3A, %add3A_10 : vector<2048xf32>
    %rsqrt3A = math.rsqrt %add3A_11 : vector<2048xf32>
    %get3A_12 = arith.constant 0 : index
    %get3A_13 = arith.constant 0 : index
    %get3A_14 = vector.load %arg1[%get3A_12, %get3A_13] : memref<2048x256xf32, #tpu.memory_space<vmem>>, vector<2048x256xf32>
    %get3A_15 = arith.constant 0 : index
    %get3A_16 = arith.constant 0 : index
    %get3A_17 = vector.load %arg2[%get3A_15, %get3A_16] : memref<256x256xf32, #tpu.memory_space<vmem>>, vector<256x256xf32>
    %dot_general3A = arith.constant dense<0.000000e+00> : vector<2048x256xf32>
    %dot_general3A_18 = tpu.matmul %get3A_14, %get3A_17, %dot_general3A {dimension_numbers = #tpu.dot_dimension_numbers<[1], [0], [0], [1], [0, 0, 1, 1], [], []>, transpose_lhs_hint = false} : vector<2048x256xf32>, vector<256x256xf32>, vector<2048x256xf32> -> vector<2048x256xf32>
    %broadcast_in_dim3A = vector.shape_cast %rsqrt3A : vector<2048xf32> to vector<2048x1xf32>
    %mul3A = vector.broadcast %broadcast_in_dim3A : vector<2048x1xf32> to vector<2048x256xf32>
    %mul3A_19 = arith.mulf %dot_general3A_18, %mul3A : vector<2048x256xf32>
    %slice3A = vector.extract_strided_slice %mul3A_19 {offsets = [0, 0], sizes = [2048, 128], strides = [1, 1]} : vector<2048x256xf32> to vector<2048x128xf32>
    %swap3A = arith.constant 0 : index
    %swap3A_20 = arith.constant 0 : index
    %swap3A_21 = arith.constant 0 : index
    %swap3A_22 = vector.load %arg5[%swap3A, %swap3A_20, %swap3A_21] : memref<2x2048x128xf32, #tpu.memory_space<vmem>>, vector<1x2048x128xf32>
    %swap3A_23 = vector.shape_cast %swap3A_22 : vector<1x2048x128xf32> to vector<2048x128xf32>
    %swap3A_24 = vector.shape_cast %slice3A : vector<2048x128xf32> to vector<1x2048x128xf32>
    tpu.vector_store %arg5[%swap3A, %swap3A_20, %swap3A_21], %swap3A_24 {strides = array<i32>} : memref<2x2048x128xf32, #tpu.memory_space<vmem>>, vector<1x2048x128xf32>,
    %slice3A_25 = vector.extract_strided_slice %mul3A_19 {offsets = [0, 128], sizes = [2048, 128], strides = [1, 1]} : vector<2048x256xf32> to vector<2048x128xf32>
    %swap3A_26 = arith.constant 1 : index
    %swap3A_27 = arith.constant 0 : index
    %swap3A_28 = arith.constant 0 : index
    %swap3A_29 = vector.load %arg5[%swap3A_26, %swap3A_27, %swap3A_28] : memref<2x2048x128xf32, #tpu.memory_space<vmem>>, vector<1x2048x128xf32>
    %swap3A_30 = vector.shape_cast %swap3A_29 : vector<1x2048x128xf32> to vector<2048x128xf32>
    %swap3A_31 = vector.shape_cast %slice3A_25 : vector<2048x128xf32> to vector<1x2048x128xf32>
    tpu.vector_store %arg5[%swap3A_26, %swap3A_27, %swap3A_28], %swap3A_31 {strides = array<i32>} : memref<2x2048x128xf32, #tpu.memory_space<vmem>>, vector<1x2048x128xf32>,
    %swap3A_32 = arith.constant 0 : index
    %swap3A_33 = arith.constant 0 : index
    %swap3A_34 = arith.constant 0 : index
    %swap3A_35 = vector.load %arg6[%swap3A_32, %swap3A_33, %swap3A_34] : memref<1x1x2048xf32, #tpu.memory_space<vmem>>, vector<1x1x2048xf32>
    %swap3A_36 = vector.shape_cast %swap3A_35 : vector<1x1x2048xf32> to vector<2048xf32>
    %swap3A_37 = vector.shape_cast %rsqrt3A : vector<2048xf32> to vector<1x1x2048xf32>
    tpu.vector_store %arg6[%swap3A_32, %swap3A_33, %swap3A_34], %swap3A_37 {strides = array<i32>} : memref<1x1x2048xf32, #tpu.memory_space<vmem>>, vector<1x1x2048xf32>,
    return
  }
  func.func @transform_0(%arg0: i32) -> (i32, i32) {
    %c0_i32 = arith.constant 0 : i32
    %c0_i32_0 = arith.constant 0 : i32
    return %arg0, %c0_i32 : i32, i32
  }
  func.func @transform_1(%arg0: i32) -> (i32, i32) {
    %c0_i32 = arith.constant 0 : i32
    %c0_i32_0 = arith.constant 0 : i32
    %c0_i32_1 = arith.constant 0 : i32
    return %c0_i32, %c0_i32_0 : i32, i32
  }
  func.func @transform_2(%arg0: i32) -> (i32, i32, i32) {
    %c0_i32 = arith.constant 0 : i32
    %c0_i32_0 = arith.constant 0 : i32
    %c0_i32_1 = arith.constant 0 : i32
    return %arg0, %c0_i32, %c0_i32_0 : i32, i32, i32
  }
  func.func @transform_3(%arg0: i32) -> (i32, i32, i32) {
    %c0_i32 = arith.constant 0 : i32
    %c0_i32_0 = arith.constant 0 : i32
    %c0_i32_1 = arith.constant 0 : i32
    return %arg0, %c0_i32, %c0_i32_0 : i32, i32, i32
  }
  func.func @transform_4(%arg0: i32) -> (i32, i32, i32) {
    %c0_i32 = arith.constant 0 : i32
    %c0_i32_0 = arith.constant 0 : i32
    %c0_i32_1 = arith.constant 0 : i32
    return %c0_i32, %arg0, %c0_i32_0 : i32, i32, i32
  }
  func.func @transform_5(%arg0: i32) -> (i32, i32, i32) {
    %c0_i32 = arith.constant 0 : i32
    %c0_i32_0 = arith.constant 0 : i32
    %c0_i32_1 = arith.constant 0 : i32
    return %arg0, %c0_i32, %c0_i32_0 : i32, i32, i32
  }
}

module attributes {stable_mosaic.version = 14 : i64} {
  func.func @_fused_body(%arg0: i32, %arg1: memref<2x2048x128xf32, #tpu.memory_space<vmem>>, %arg2: memref<1x1x2048xf32, #tpu.memory_space<vmem>>, %arg3: memref<1x256xf32, #tpu.memory_space<vmem>>, %arg4: memref<1x1x2048xi32, #tpu.memory_space<vmem>>, %arg5: memref<1x1x2000xi32, #tpu.memory_space<vmem>>, %arg6: memref<1x256xf32, #tpu.memory_space<vmem>>, %arg7: memref<1x256xf32, #tpu.memory_space<vmem>>, %arg8: memref<1x256xf32, #tpu.memory_space<vmem>>, %arg9: memref<2000x256xf32, #tpu.memory_space<vmem>>, %arg10: memref<2000x256xf32, #tpu.memory_space<vmem>>, %arg11: memref<10240x256xf32, #tpu.memory_space<vmem>>, %arg12: memref<32x256xf32, #tpu.memory_space<vmem>>, %arg13: memref<32x256xf32, #tpu.memory_space<vmem>>, %arg14: memref<32x128xf32, #tpu.memory_space<vmem>>) attributes {dimension_semantics = [#tpu.dimension_semantics<arbitrary>], iteration_bounds = array<i64: 10>, scalar_prefetch = 0 : i64, scratch_operands = 4 : i64, tpu.core_type = #tpu.core_type<tc>, window_params = [{transform_indices = @transform_0, window_bounds = array<i64: 2, 2048, 128>}, {transform_indices = @transform_1, window_bounds = array<i64: 1, 1, 2048>}, {pipeline_mode = #tpu.pipeline_mode<synchronous>, transform_indices = @transform_2, window_bounds = array<i64: 1, 256>}, {transform_indices = @transform_3, window_bounds = array<i64: 1, 1, 2048>}, {transform_indices = @transform_4, window_bounds = array<i64: 1, 1, 2000>}, {pipeline_mode = #tpu.pipeline_mode<synchronous>, transform_indices = @transform_5, window_bounds = array<i64: 1, 256>}, {pipeline_mode = #tpu.pipeline_mode<synchronous>, transform_indices = @transform_6, window_bounds = array<i64: 1, 256>}, {pipeline_mode = #tpu.pipeline_mode<synchronous>, transform_indices = @transform_7, window_bounds = array<i64: 1, 256>}, {transform_indices = @transform_8, window_bounds = array<i64: 2000, 256>}, {transform_indices = @transform_9, window_bounds = array<i64: 2000, 256>}]} {
    %lt3A = arith.constant 5 : i32
    %lt3A_0 = arith.cmpi slt, %arg0, %lt3A : i32
    %convert_element_type3A = arith.extui %lt3A_0 : i1 to i32
    %cond3A = arith.constant 0 : i32
    %cond3A_1 = arith.cmpi ne, %convert_element_type3A, %cond3A : i32
    scf.if %cond3A_1 {
      %get3A = arith.constant 0 : index
      %get3A_6 = arith.constant 0 : index
      %get3A_7 = arith.constant 0 : index
      %get3A_8 = vector.load %arg1[%get3A, %get3A_6, %get3A_7] : memref<2x2048x128xf32, #tpu.memory_space<vmem>>, vector<2x2048x128xf32>
      %slice3A = vector.extract_strided_slice %get3A_8 {offsets = [0, 0, 0], sizes = [1, 2048, 128], strides = [1, 1, 1]} : vector<2x2048x128xf32> to vector<1x2048x128xf32>
      %squeeze3A = vector.shape_cast %slice3A : vector<1x2048x128xf32> to vector<2048x128xf32>
      %slice3A_9 = vector.extract_strided_slice %get3A_8 {offsets = [1, 0, 0], sizes = [1, 2048, 128], strides = [1, 1, 1]} : vector<2x2048x128xf32> to vector<1x2048x128xf32>
      %squeeze3A_10 = vector.shape_cast %slice3A_9 : vector<1x2048x128xf32> to vector<2048x128xf32>
      %concatenate3A = tpu.concatenate %squeeze3A, %squeeze3A_10 in 1 : vector<2048x128xf32>, vector<2048x128xf32> -> vector<2048x256xf32>
      %get3A_11 = arith.constant 0 : index
      %get3A_12 = arith.constant 0 : index
      %get3A_13 = arith.constant 0 : index
      %get3A_14 = vector.load %arg2[%get3A_11, %get3A_12, %get3A_13] : memref<1x1x2048xf32, #tpu.memory_space<vmem>>, vector<1x1x2048xf32>
      %get3A_15 = vector.shape_cast %get3A_14 : vector<1x1x2048xf32> to vector<2048xf32>
      %broadcast_in_dim3A = vector.shape_cast %get3A_15 : vector<2048xf32> to vector<2048x1xf32>
      %mul3A = vector.broadcast %broadcast_in_dim3A : vector<2048x1xf32> to vector<2048x256xf32>
      %mul3A_16 = arith.mulf %concatenate3A, %mul3A : vector<2048x256xf32>
      %get3A_17 = arith.constant 0 : index
      %get3A_18 = arith.constant 0 : index
      %get3A_19 = vector.load %arg3[%get3A_17, %get3A_18] : memref<1x256xf32, #tpu.memory_space<vmem>>, vector<1x256xf32>
      %add3A = vector.broadcast %get3A_19 : vector<1x256xf32> to vector<2048x256xf32>
      %add3A_20 = arith.addf %mul3A_16, %add3A : vector<2048x256xf32>
      %mul3A_21 = arith.constant 2048 : i32
      %mul3A_22 = arith.muli %arg0, %mul3A_21 : i32
      %swap3A = arith.index_cast %mul3A_22 : i32 to index
      %swap3A_23 = arith.constant 0 : index
      %swap3A_24 = vector.load %arg11[%swap3A, %swap3A_23] : memref<10240x256xf32, #tpu.memory_space<vmem>>, vector<2048x256xf32>
      tpu.vector_store %arg11[%swap3A, %swap3A_23], %add3A_20 {strides = array<i32>} : memref<10240x256xf32, #tpu.memory_space<vmem>>, vector<2048x256xf32>,
      %get3A_25 = arith.constant 0 : index
      %get3A_26 = arith.constant 0 : index
      %get3A_27 = arith.constant 0 : index
      %get3A_28 = vector.load %arg4[%get3A_25, %get3A_26, %get3A_27] : memref<1x1x2048xi32, #tpu.memory_space<vmem>>, vector<1x1x2048xi32>
      %get3A_29 = vector.shape_cast %get3A_28 : vector<1x1x2048xi32> to vector<2048xi32>
      %iota3A = tpu.iota {dimensions = array<i32: 0>} : vector<32x2048xi32>
      %broadcast_in_dim3A_30 = vector.shape_cast %get3A_29 : vector<2048xi32> to vector<1x2048xi32>
      %eq3A = vector.broadcast %broadcast_in_dim3A_30 : vector<1x2048xi32> to vector<32x2048xi32>
      %eq3A_31 = arith.cmpi eq, %iota3A, %eq3A : vector<32x2048xi32>
      %convert_element_type3A_32 = arith.extui %eq3A_31 : vector<32x2048xi1> to vector<32x2048xi32>
      %convert_element_type3A_33 = arith.sitofp %convert_element_type3A_32 : vector<32x2048xi32> to vector<32x2048xf32>
      %dot_general3A = arith.constant dense<0.000000e+00> : vector<32x256xf32>
      %dot_general3A_34 = tpu.matmul %convert_element_type3A_33, %add3A_20, %dot_general3A {dimension_numbers = #tpu.dot_dimension_numbers<[1], [0], [0], [1], [0, 0, 1, 1], [], []>, transpose_lhs_hint = false} : vector<32x2048xf32>, vector<2048x256xf32>, vector<32x256xf32> -> vector<32x256xf32>
      %mul3A_35 = arith.mulf %add3A_20, %add3A_20 : vector<2048x256xf32>
      %dot_general3A_36 = arith.constant dense<0.000000e+00> : vector<32x256xf32>
      %dot_general3A_37 = tpu.matmul %convert_element_type3A_33, %mul3A_35, %dot_general3A_36 {dimension_numbers = #tpu.dot_dimension_numbers<[1], [0], [0], [1], [0, 0, 1, 1], [], []>, transpose_lhs_hint = false} : vector<32x2048xf32>, vector<2048x256xf32>, vector<32x256xf32> -> vector<32x256xf32>
      %broadcast_in_dim3A_38 = arith.constant 1.000000e+00 : f32
      %broadcast_in_dim3A_39 = vector.broadcast %broadcast_in_dim3A_38 : f32 to vector<2048x128xf32>
      %dot_general3A_40 = arith.constant dense<0.000000e+00> : vector<32x128xf32>
      %dot_general3A_41 = tpu.matmul %convert_element_type3A_33, %broadcast_in_dim3A_39, %dot_general3A_40 {dimension_numbers = #tpu.dot_dimension_numbers<[1], [0], [0], [1], [0, 0, 1, 1], [], []>, transpose_lhs_hint = false} : vector<32x2048xf32>, vector<2048x128xf32>, vector<32x128xf32> -> vector<32x128xf32>
      %eq3A_42 = arith.constant 0 : i32
      %eq3A_43 = arith.cmpi eq, %arg0, %eq3A_42 : i32
      %convert_element_type3A_44 = arith.extui %eq3A_43 : i1 to i32
      %cond3A_45 = arith.constant 0 : i32
      %cond3A_46 = arith.cmpi ne, %convert_element_type3A_44, %cond3A_45 : i32
      scf.if %cond3A_46 {
        %swap3A_51 = arith.constant 0 : index
        %swap3A_52 = arith.constant 0 : index
        %swap3A_53 = vector.load %arg12[%swap3A_51, %swap3A_52] : memref<32x256xf32, #tpu.memory_space<vmem>>, vector<32x256xf32>
        tpu.vector_store %arg12[%swap3A_51, %swap3A_52], %dot_general3A_34 {strides = array<i32>} : memref<32x256xf32, #tpu.memory_space<vmem>>, vector<32x256xf32>,
        %swap3A_54 = arith.constant 0 : index
        %swap3A_55 = arith.constant 0 : index
        %swap3A_56 = vector.load %arg13[%swap3A_54, %swap3A_55] : memref<32x256xf32, #tpu.memory_space<vmem>>, vector<32x256xf32>
        tpu.vector_store %arg13[%swap3A_54, %swap3A_55], %dot_general3A_37 {strides = array<i32>} : memref<32x256xf32, #tpu.memory_space<vmem>>, vector<32x256xf32>,
        %swap3A_57 = arith.constant 0 : index
        %swap3A_58 = arith.constant 0 : index
        %swap3A_59 = vector.load %arg14[%swap3A_57, %swap3A_58] : memref<32x128xf32, #tpu.memory_space<vmem>>, vector<32x128xf32>
        tpu.vector_store %arg14[%swap3A_57, %swap3A_58], %dot_general3A_41 {strides = array<i32>} : memref<32x128xf32, #tpu.memory_space<vmem>>, vector<32x128xf32>,
      } else {
      }
      %gt3A = arith.constant 0 : i32
      %gt3A_47 = arith.cmpi sgt, %arg0, %gt3A : i32
      %convert_element_type3A_48 = arith.extui %gt3A_47 : i1 to i32
      %cond3A_49 = arith.constant 0 : i32
      %cond3A_50 = arith.cmpi ne, %convert_element_type3A_48, %cond3A_49 : i32
      scf.if %cond3A_50 {
        %get3A_51 = arith.constant 0 : index
        %get3A_52 = arith.constant 0 : index
        %get3A_53 = vector.load %arg12[%get3A_51, %get3A_52] : memref<32x256xf32, #tpu.memory_space<vmem>>, vector<32x256xf32>
        %add3A_54 = arith.addf %get3A_53, %dot_general3A_34 : vector<32x256xf32>
        %swap3A_55 = arith.constant 0 : index
        %swap3A_56 = arith.constant 0 : index
        %swap3A_57 = vector.load %arg12[%swap3A_55, %swap3A_56] : memref<32x256xf32, #tpu.memory_space<vmem>>, vector<32x256xf32>
        tpu.vector_store %arg12[%swap3A_55, %swap3A_56], %add3A_54 {strides = array<i32>} : memref<32x256xf32, #tpu.memory_space<vmem>>, vector<32x256xf32>,
        %get3A_58 = arith.constant 0 : index
        %get3A_59 = arith.constant 0 : index
        %get3A_60 = vector.load %arg13[%get3A_58, %get3A_59] : memref<32x256xf32, #tpu.memory_space<vmem>>, vector<32x256xf32>
        %add3A_61 = arith.addf %get3A_60, %dot_general3A_37 : vector<32x256xf32>
        %swap3A_62 = arith.constant 0 : index
        %swap3A_63 = arith.constant 0 : index
        %swap3A_64 = vector.load %arg13[%swap3A_62, %swap3A_63] : memref<32x256xf32, #tpu.memory_space<vmem>>, vector<32x256xf32>
        tpu.vector_store %arg13[%swap3A_62, %swap3A_63], %add3A_61 {strides = array<i32>} : memref<32x256xf32, #tpu.memory_space<vmem>>, vector<32x256xf32>,
        %get3A_65 = arith.constant 0 : index
        %get3A_66 = arith.constant 0 : index
        %get3A_67 = vector.load %arg14[%get3A_65, %get3A_66] : memref<32x128xf32, #tpu.memory_space<vmem>>, vector<32x128xf32>
        %add3A_68 = arith.addf %get3A_67, %dot_general3A_41 : vector<32x128xf32>
        %swap3A_69 = arith.constant 0 : index
        %swap3A_70 = arith.constant 0 : index
        %swap3A_71 = vector.load %arg14[%swap3A_69, %swap3A_70] : memref<32x128xf32, #tpu.memory_space<vmem>>, vector<32x128xf32>
        tpu.vector_store %arg14[%swap3A_69, %swap3A_70], %add3A_68 {strides = array<i32>} : memref<32x128xf32, #tpu.memory_space<vmem>>, vector<32x128xf32>,
      } else {
      }
    } else {
    }
    %ge3A = arith.constant 5 : i32
    %ge3A_2 = arith.cmpi sge, %arg0, %ge3A : i32
    %convert_element_type3A_3 = arith.extui %ge3A_2 : i1 to i32
    %cond3A_4 = arith.constant 0 : i32
    %cond3A_5 = arith.cmpi ne, %convert_element_type3A_3, %cond3A_4 : i32
    scf.if %cond3A_5 {
      %get3A = arith.constant 0 : index
      %get3A_6 = arith.constant 0 : index
      %get3A_7 = vector.load %arg14[%get3A, %get3A_6] : memref<32x128xf32, #tpu.memory_space<vmem>>, vector<32x128xf32>
      %slice3A = vector.extract_strided_slice %get3A_7 {offsets = [0, 0], sizes = [32, 1], strides = [1, 1]} : vector<32x128xf32> to vector<32x1xf32>
      %max3A = arith.constant 1.000000e+00 : f32
      %max3A_8 = vector.broadcast %max3A : f32 to vector<32x1xf32>
      %max3A_9 = arith.maximumf %slice3A, %max3A_8 : vector<32x1xf32>
      %div3A = arith.constant 1.000000e+00 : f32
      %div3A_10 = vector.broadcast %div3A : f32 to vector<32x1xf32>
      %div3A_11 = arith.divf %div3A_10, %max3A_9 : vector<32x1xf32>
      %get3A_12 = arith.constant 0 : index
      %get3A_13 = arith.constant 0 : index
      %get3A_14 = vector.load %arg12[%get3A_12, %get3A_13] : memref<32x256xf32, #tpu.memory_space<vmem>>, vector<32x256xf32>
      %mul3A = vector.broadcast %div3A_11 : vector<32x1xf32> to vector<32x256xf32>
      %mul3A_15 = arith.mulf %get3A_14, %mul3A : vector<32x256xf32>
      %get3A_16 = arith.constant 0 : index
      %get3A_17 = arith.constant 0 : index
      %get3A_18 = vector.load %arg13[%get3A_16, %get3A_17] : memref<32x256xf32, #tpu.memory_space<vmem>>, vector<32x256xf32>
      %mul3A_19 = vector.broadcast %div3A_11 : vector<32x1xf32> to vector<32x256xf32>
      %mul3A_20 = arith.mulf %get3A_18, %mul3A_19 : vector<32x256xf32>
      %get3A_21 = arith.constant 0 : index
      %get3A_22 = arith.constant 0 : index
      %get3A_23 = vector.load %arg8[%get3A_21, %get3A_22] : memref<1x256xf32, #tpu.memory_space<vmem>>, vector<1x256xf32>
      %mul3A_24 = arith.mulf %mul3A_15, %mul3A_15 : vector<32x256xf32>
      %mul3A_25 = arith.mulf %get3A_23, %get3A_23 : vector<1x256xf32>
      %mul3A_26 = arith.constant 2.000000e+00 : f32
      %mul3A_27 = vector.broadcast %mul3A_26 : f32 to vector<1x256xf32>
      %mul3A_28 = arith.mulf %mul3A_27, %get3A_23 : vector<1x256xf32>
      %sub3A = arith.subf %mul3A_25, %mul3A_28 : vector<1x256xf32>
      %mul3A_29 = vector.broadcast %sub3A : vector<1x256xf32> to vector<32x256xf32>
      %mul3A_30 = arith.mulf %mul3A_24, %mul3A_29 : vector<32x256xf32>
      %add3A = arith.addf %mul3A_20, %mul3A_30 : vector<32x256xf32>
      %add3A_31 = arith.constant 9.99999974E-6 : f32
      %add3A_32 = vector.broadcast %add3A_31 : f32 to vector<32x256xf32>
      %add3A_33 = arith.addf %add3A, %add3A_32 : vector<32x256xf32>
      %rsqrt3A = math.rsqrt %add3A_33 : vector<32x256xf32>
      %mul3A_34 = vector.broadcast %get3A_23 : vector<1x256xf32> to vector<32x256xf32>
      %mul3A_35 = arith.mulf %mul3A_15, %mul3A_34 : vector<32x256xf32>
      %get3A_36 = arith.constant 0 : index
      %get3A_37 = arith.constant 0 : index
      %get3A_38 = arith.constant 0 : index
      %get3A_39 = vector.load %arg5[%get3A_36, %get3A_37, %get3A_38] : memref<1x1x2000xi32, #tpu.memory_space<vmem>>, vector<1x1x2000xi32>
      %get3A_40 = vector.shape_cast %get3A_39 : vector<1x1x2000xi32> to vector<2000xi32>
      %broadcast_in_dim3A = vector.shape_cast %get3A_40 : vector<2000xi32> to vector<2000x1xi32>
      %iota3A = tpu.iota {dimensions = array<i32: 1>} : vector<2000x32xi32>
      %eq3A = vector.broadcast %broadcast_in_dim3A : vector<2000x1xi32> to vector<2000x32xi32>
      %eq3A_41 = arith.cmpi eq, %eq3A, %iota3A : vector<2000x32xi32>
      %convert_element_type3A_42 = arith.extui %eq3A_41 : vector<2000x32xi1> to vector<2000x32xi32>
      %convert_element_type3A_43 = arith.sitofp %convert_element_type3A_42 : vector<2000x32xi32> to vector<2000x32xf32>
      %dot_general3A = arith.constant dense<0.000000e+00> : vector<2000x256xf32>
      %dot_general3A_44 = tpu.matmul %convert_element_type3A_43, %mul3A_35, %dot_general3A {dimension_numbers = #tpu.dot_dimension_numbers<[1], [0], [0], [1], [0, 0, 1, 1], [], []>, transpose_lhs_hint = false} : vector<2000x32xf32>, vector<32x256xf32>, vector<2000x256xf32> -> vector<2000x256xf32>
      %dot_general3A_45 = arith.constant dense<0.000000e+00> : vector<2000x256xf32>
      %dot_general3A_46 = tpu.matmul %convert_element_type3A_43, %rsqrt3A, %dot_general3A_45 {dimension_numbers = #tpu.dot_dimension_numbers<[1], [0], [0], [1], [0, 0, 1, 1], [], []>, transpose_lhs_hint = false} : vector<2000x32xf32>, vector<32x256xf32>, vector<2000x256xf32> -> vector<2000x256xf32>
      %sub3A_47 = arith.constant 5 : i32
      %sub3A_48 = arith.subi %arg0, %sub3A_47 : i32
      %mul3A_49 = arith.constant 2000 : i32
      %mul3A_50 = arith.muli %sub3A_48, %mul3A_49 : i32
      %get3A_51 = arith.index_cast %mul3A_50 : i32 to index
      %get3A_52 = arith.constant 0 : index
      %get3A_53 = vector.load %arg11[%get3A_51, %get3A_52] : memref<10240x256xf32, #tpu.memory_space<vmem>>, vector<2000x256xf32>
      %sub3A_54 = arith.subf %get3A_53, %dot_general3A_44 : vector<2000x256xf32>
      %mul3A_55 = arith.mulf %sub3A_54, %dot_general3A_46 : vector<2000x256xf32>
      %get3A_56 = arith.constant 0 : index
      %get3A_57 = arith.constant 0 : index
      %get3A_58 = vector.load %arg6[%get3A_56, %get3A_57] : memref<1x256xf32, #tpu.memory_space<vmem>>, vector<1x256xf32>
      %mul3A_59 = vector.broadcast %get3A_58 : vector<1x256xf32> to vector<2000x256xf32>
      %mul3A_60 = arith.mulf %mul3A_55, %mul3A_59 : vector<2000x256xf32>
      %get3A_61 = arith.constant 0 : index
      %get3A_62 = arith.constant 0 : index
      %get3A_63 = vector.load %arg7[%get3A_61, %get3A_62] : memref<1x256xf32, #tpu.memory_space<vmem>>, vector<1x256xf32>
      %add3A_64 = vector.broadcast %get3A_63 : vector<1x256xf32> to vector<2000x256xf32>
      %add3A_65 = arith.addf %mul3A_60, %add3A_64 : vector<2000x256xf32>
      %max3A_66 = arith.constant 0.000000e+00 : f32
      %max3A_67 = vector.broadcast %max3A_66 : f32 to vector<2000x256xf32>
      %max3A_68 = arith.maximumf %add3A_65, %max3A_67 : vector<2000x256xf32>
      %get3A_69 = arith.constant 0 : index
      %get3A_70 = arith.constant 0 : index
      %get3A_71 = vector.load %arg9[%get3A_69, %get3A_70] : memref<2000x256xf32, #tpu.memory_space<vmem>>, vector<2000x256xf32>
      %add3A_72 = arith.addf %max3A_68, %get3A_71 : vector<2000x256xf32>
      %swap3A = arith.constant 0 : index
      %swap3A_73 = arith.constant 0 : index
      %swap3A_74 = vector.load %arg10[%swap3A, %swap3A_73] : memref<2000x256xf32, #tpu.memory_space<vmem>>, vector<2000x256xf32>
      tpu.vector_store %arg10[%swap3A, %swap3A_73], %add3A_72 {strides = array<i32>} : memref<2000x256xf32, #tpu.memory_space<vmem>>, vector<2000x256xf32>,
    } else {
    }
    return
  }
  func.func @transform_0(%arg0: i32) -> (i32, i32, i32) {
    %lt3A = arith.constant 5 : i32
    %lt3A_0 = arith.cmpi slt, %arg0, %lt3A : i32
    %jit3A = arith.constant 0 : i32
    %select_n3A = arith.select %lt3A_0, %arg0, %jit3A : i32
    %c0_i32 = arith.constant 0 : i32
    %c0_i32_1 = arith.constant 0 : i32
    %c0_i32_2 = arith.constant 0 : i32
    return %c0_i32, %select_n3A, %c0_i32_1 : i32, i32, i32
  }
  func.func @transform_1(%arg0: i32) -> (i32, i32, i32) {
    %lt3A = arith.constant 5 : i32
    %lt3A_0 = arith.cmpi slt, %arg0, %lt3A : i32
    %jit3A = arith.constant 0 : i32
    %select_n3A = arith.select %lt3A_0, %arg0, %jit3A : i32
    %c0_i32 = arith.constant 0 : i32
    %c0_i32_1 = arith.constant 0 : i32
    %c0_i32_2 = arith.constant 0 : i32
    return %select_n3A, %c0_i32, %c0_i32_1 : i32, i32, i32
  }
  func.func @transform_2(%arg0: i32) -> (i32, i32) {
    %c0_i32 = arith.constant 0 : i32
    %c0_i32_0 = arith.constant 0 : i32
    %c0_i32_1 = arith.constant 0 : i32
    return %c0_i32, %c0_i32_0 : i32, i32
  }
  func.func @transform_3(%arg0: i32) -> (i32, i32, i32) {
    %lt3A = arith.constant 5 : i32
    %lt3A_0 = arith.cmpi slt, %arg0, %lt3A : i32
    %jit3A = arith.constant 0 : i32
    %select_n3A = arith.select %lt3A_0, %arg0, %jit3A : i32
    %c0_i32 = arith.constant 0 : i32
    %c0_i32_1 = arith.constant 0 : i32
    %c0_i32_2 = arith.constant 0 : i32
    return %select_n3A, %c0_i32, %c0_i32_1 : i32, i32, i32
  }
  func.func @transform_4(%arg0: i32) -> (i32, i32, i32) {
    %lt3A = arith.constant 5 : i32
    %lt3A_0 = arith.cmpi slt, %arg0, %lt3A : i32
    %sub3A = arith.constant 5 : i32
    %sub3A_1 = arith.subi %arg0, %sub3A : i32
    %jit3A = arith.constant 0 : i32
    %select_n3A = arith.select %lt3A_0, %jit3A, %sub3A_1 : i32
    %c0_i32 = arith.constant 0 : i32
    %c0_i32_2 = arith.constant 0 : i32
    %c0_i32_3 = arith.constant 0 : i32
    return %select_n3A, %c0_i32, %c0_i32_2 : i32, i32, i32
  }
  func.func @transform_5(%arg0: i32) -> (i32, i32) {
    %c0_i32 = arith.constant 0 : i32
    %c0_i32_0 = arith.constant 0 : i32
    %c0_i32_1 = arith.constant 0 : i32
    return %c0_i32, %c0_i32_0 : i32, i32
  }
  func.func @transform_6(%arg0: i32) -> (i32, i32) {
    %c0_i32 = arith.constant 0 : i32
    %c0_i32_0 = arith.constant 0 : i32
    %c0_i32_1 = arith.constant 0 : i32
    return %c0_i32, %c0_i32_0 : i32, i32
  }
  func.func @transform_7(%arg0: i32) -> (i32, i32) {
    %c0_i32 = arith.constant 0 : i32
    %c0_i32_0 = arith.constant 0 : i32
    %c0_i32_1 = arith.constant 0 : i32
    return %c0_i32, %c0_i32_0 : i32, i32
  }
  func.func @transform_8(%arg0: i32) -> (i32, i32) {
    %lt3A = arith.constant 5 : i32
    %lt3A_0 = arith.cmpi slt, %arg0, %lt3A : i32
    %sub3A = arith.constant 5 : i32
    %sub3A_1 = arith.subi %arg0, %sub3A : i32
    %jit3A = arith.constant 0 : i32
    %select_n3A = arith.select %lt3A_0, %jit3A, %sub3A_1 : i32
    %c0_i32 = arith.constant 0 : i32
    %c0_i32_2 = arith.constant 0 : i32
    return %select_n3A, %c0_i32 : i32, i32
  }
  func.func @transform_9(%arg0: i32) -> (i32, i32) {
    %lt3A = arith.constant 5 : i32
    %lt3A_0 = arith.cmpi slt, %arg0, %lt3A : i32
    %sub3A = arith.constant 5 : i32
    %sub3A_1 = arith.subi %arg0, %sub3A : i32
    %jit3A = arith.constant 0 : i32
    %select_n3A = arith.select %lt3A_0, %jit3A, %sub3A_1 : i32
    %c0_i32 = arith.constant 0 : i32
    %c0_i32_2 = arith.constant 0 : i32
    return %select_n3A, %c0_i32 : i32, i32
  }
}

</mosaic_0001>

<sc_bundles>
// kernel: kernel.6.cloned.1.call-start
scs
__scs_entry_jumppad:
0x0: {  	(pc) =	sbr.rel $0x88, $3  }
0x1: {  	(tag) =	ssettag $0x0;
	lr =	simm.s32 $0x1  }
0x2: {  	[smem:$0x3F99] =	sst lr;
	_ =	strace $0xD0000000  }
0x3: {  	_ = 	snop  }
0x4: {  	_ = 	snop  }
0x5: {  	_ = 	snop  }
0x6: {  	_ = 	snop  }
0x7: {  	_ = 	snop  }
__scs_overlays_trampoline_lowered:
0x8: {  	[smem:$0x3FA8] =	sst s0  }
0x9: {  	[smem:$0x3FA9] =	sst s1  }
0xa: {  	[smem:$0x3FAA] =	sst s2  }
0xb: {  	[smem:$0x3FAB] =	sst s3  }
0xc: {  	[smem:$0x3FAC] =	sst s4  }
0xd: {  	[smem:$0x3FAD] =	sst s5  }
0xe: {  	[smem:$0x3FAE] =	sst s6  }
0xf: {  	[smem:$0x3FAF] =	sst s7  }
0x10: {  	[smem:$0x3FB0] =	sst s8  }
0x11: {  	[smem:$0x3FB1] =	sst s9;
	s0 =	simm.s32 @!p0 $0x0  }
0x12: {  	s1 =	sld [smem:$0x3F97];
	s0 =	simm.s32 @p0 $0x1  }
0x13: {  	[smem:$0x3FB2] =	sst s0;
	s0 =	simm.s32 @!p1 $0x0  }
0x14: {  	s2 =	sld [smem:$0x3F96];
	s0 =	simm.s32 @p1 $0x1  }
0x15: {  	[smem:$0x3FB3] =	sst s0;
	s0 =	simm.s32 @!p2 $0x0  }
0x16: {  	s3 =	sld [smem:$0x3FDB];
	s0 =	simm.s32 @p2 $0x1  }
0x17: {  	s4 =	simm.s32 $0x1BF5;
	[smem:$0x3FB5] =	sst s0  }
0x18: {  	s0 =	sld [smem:$0x3F98];
	_ =	swait.ge [sflag:s4], $0x0  }
0x19: {  	s7 =	sld [smem:$0x3F99]  }
0x1a: {  	s8 =	sadd.s32 $0xFFFFE003, lr  }
0x1b: {  	s9 =	sadd.s32 $0xFFFFFEF7, lr;
	s5 =	simm.s32 $0xFFFFFFFF;
	p2 =	slt.u32 s8, $0xFFFFF086  }
0x1c: {  	p1 =	slt.u32 s9, $0xF7A;
	s5 =	simm.s32 @!p2 $0x0  }
0x1d: {  	s5 =	simm.s32 @p1 $0x1;
	p0 =	seq.s32 s7, s2  }
0x1e: {  	s7 =	smul.u32 @!p0 $0xF7A, s2;
	p2 =	seq.s32 @!p0 s5, $0x0  }
0x1f: {  	s9 =	smul.u32 $0xF7A, s1;
	s8 =	simm.s32 @!p0 $0x1BF5;
	p2 =	por !p2, p0  }
0x20: {  	[sflag:s8] =	ssyncset.s32 @!p0 $0xFFFFF086;
	s6 =	sadd.s32 @!p0 s3, s7;
	s7 =	simm.s32 @!p0 $0x108  }
0x21: {  	s3 =	sadd.s32 s3, s9;
	s6 =	sadd.s32 @!p0 $0x88, s6;
	s7 =	simm.s32 @p2 $0x1082  }
0x22: {  	[simem:s7], [sflag:s8] =	dma.local @!p0 [hbm:s6], $0xF7A  }
0x23: {  	s9 =	sor.u32 $0xD0000000, s2;
	s6 =	simm.s32 $0x108;
	_ =	swait.ge @!p0 [sflag:s8], $0x0  }
0x24: {  	s3 =	sadd.s32 $0x88, s3;
	s6 =	simm.s32 @!p1 $0x1082;
	[sflag:s4] =	ssyncset.s32 $0xFFFFF086  }
0x25: {  	[simem:s6], [sflag:s4] =	dma.local [hbm:s3], $0xF7A  }
0x26: {  	[smem:$0x3F99] =	sst s1;
	(tag) =	ssettag s2;
	_ =	strace s9  }
0x27: {  	s1 =	sld [smem:$0x3FA9]  }
0x28: {  	s2 =	sld [smem:$0x3FAA]  }
0x29: {  	s4 =	sld [smem:$0x3FAC]  }
0x2a: {  	p0 =	seq.s32 s5, $0x0;
	s5 =	sld [smem:$0x3FAD]  }
0x2b: {  	s6 =	sld [smem:$0x3FAE]  }
0x2c: {  	s7 =	sld [smem:$0x3FAF]  }
0x2d: {  	s3 =	simm.s32 $0x108;
	s8 =	sld [smem:$0x3FB0]  }
0x2e: {  	s3 =	simm.s32 @!p0 $0x1082;
	s9 =	sld [smem:$0x3FB1]  }
0x2f: {  	lr =	sadd.s32 s0, s3;
	s0 =	sld [smem:$0x3FA8]  }
0x30: {  	s3 =	sld [smem:$0x3FAB]  }
0x31: {  	[smem:$0x3FB4] =	sst s10  }
0x32: {  	s10 =	sld [smem:$0x3FB2];
	_ =	sdelay $0x3  }
0x33: {  	p0 =	seq.s32 s10, $0x1;
	s10 =	sld [smem:$0x3FB4];
	_ =	sdelay $0x3  }
0x34: {  	[smem:$0x3FB4] =	sst s10  }
0x35: {  	s10 =	sld [smem:$0x3FB3];
	_ =	sdelay $0x3  }
0x36: {  	p1 =	seq.s32 s10, $0x1;
	s10 =	sld [smem:$0x3FB4];
	_ =	sdelay $0x3  }
0x37: {  	[smem:$0x3FB4] =	sst s10  }
0x38: {  	s10 =	sld [smem:$0x3FB5]  }
0x39: {  	_ = 	snop;
	(pc) =	sbr.ind lr, $3  }
0x3a: {  	_ = 	snop  }
0x3b: {  	_ = 	snop  }
0x3c: {  	p2 =	seq.s32 s10, $0x1;
	s10 =	sld [smem:$0x3FB4]  }
0x3d: {  	_ =	shalt  }
0x3e: {  	_ =	shalt  }
0x3f: {  	_ =	shalt  }
0x40: {  	_ =	shalt  }
0x41: {  	_ =	shalt  }
0x42: {  	_ =	shalt  }
0x43: {  	_ =	shalt  }
0x44: {  	_ =	shalt  }
0x45: {  	_ =	shalt  }
0x46: {  	_ =	shalt  }
0x47: {  	_ =	shalt  }
0x48: {  	_ =	shalt  }
0x49: {  	_ =	shalt  }
0x4a: {  	_ =	shalt  }
0x4b: {  	_ =	shalt  }
0x4c: {  	_ =	shalt  }
0x4d: {  	_ =	shalt  }
0x4e: {  	_ =	shalt  }
0x4f: {  	_ =	shalt  }
0x50: {  	_ =	shalt  }
0x51: {  	_ =	shalt  }
0x52: {  	_ =	shalt  }
0x53: {  	_ =	shalt  }
0x54: {  	_ =	shalt  }
0x55: {  	_ =	shalt  }
0x56: {  	_ =	shalt  }
0x57: {  	_ =	shalt  }
0x58: {  	_ =	shalt  }
0x59: {  	_ =	shalt  }
0x5a: {  	_ =	shalt  }
0x5b: {  	_ =	shalt  }
0x5c: {  	_ =	shalt  }
0x5d: {  	_ =	shalt  }
0x5e: {  	_ =	shalt  }
0x5f: {  	_ =	shalt  }
0x60: {  	_ =	shalt  }
0x61: {  	_ =	shalt  }
0x62: {  	_ =	shalt  }
0x63: {  	_ =	shalt  }
0x64: {  	_ =	shalt  }
0x65: {  	_ =	shalt  }
0x66: {  	_ =	shalt  }
0x67: {  	_ =	shalt  }
0x68: {  	_ =	shalt  }
0x69: {  	_ =	shalt  }
0x6a: {  	_ =	shalt  }
0x6b: {  	_ =	shalt  }
0x6c: {  	_ =	shalt  }
0x6d: {  	_ =	shalt  }
0x6e: {  	_ =	shalt  }
0x6f: {  	_ =	shalt  }
0x70: {  	_ =	shalt  }
0x71: {  	_ =	shalt  }
0x72: {  	_ =	shalt  }
0x73: {  	_ =	shalt  }
0x74: {  	_ =	shalt  }
0x75: {  	_ =	shalt  }
0x76: {  	_ =	shalt  }
0x77: {  	_ =	shalt  }
0x78: {  	_ =	shalt  }
0x79: {  	_ =	shalt  }
0x7a: {  	_ =	shalt  }
0x7b: {  	_ =	shalt  }
0x7c: {  	_ =	shalt  }
0x7d: {  	_ =	shalt  }
0x7e: {  	_ =	shalt  }
0x7f: {  	_ =	shalt  }
0x80: {  	_ =	shalt  }
0x81: {  	_ =	shalt  }
0x82: {  	_ =	shalt  }
0x83: {  	_ =	shalt  }
0x84: {  	_ =	shalt  }
0x85: {  	_ =	shalt  }
0x86: {  	_ =	shalt  }
0x87: {  	_ =	shalt  }
.Lfunc_end0:
.L_simem_size_0:
called_computation_lowered:
.L_overlay_start_0:
0x88: {  	s2 =	sld [smem:$0x3FD9]  }
0x89: {  	s3 =	sld [smem:$0x3FFE];
	_ =	sdelay $0x1  }
0x8a: {  	s1 =	srdreg.scid  }
0x8b: {  	s0 =	sand.u32 $0x1, s1  }
0x8c: {  	s16 =	sshll.u32 s0, $0xA;
	s2 =	sadd.s32 s3, s2  }
0x8d: {  	s2 =	sadd.s32 s2, s16  }
0x8e: {  	[smem:$0x3FC0] =	sst s2  }
0x8f: {  	_ = 	snop  }
0x90: {  	(tm) =	ssettm $0x1  }
0x91: {  	s17 =	sld [smem:$0x3FFB];
	_ =	sdelay $0x3  }
0x92: {  	_ =	strace s17  }
0x93: {  	s2 =	sld [smem:$0x3FFC];
	_ =	sdelay $0x3  }
0x94: {  	_ =	strace s2  }
0x95: {  	s2 =	sld [smem:$0x3FFD];
	_ =	sdelay $0x3  }
0x96: {  	_ =	strace s2  }
0x97: {  	_ =	strace $0x8FFFFFFF  }
0x98: {  	s18 =	sld [smem:$0x3FDB];
	_ =	sdelay $0x1  }
0x99: {  	s19 =	simm.s32 $_scs_section_size  }
0x9a: {  	s4 =	simm.s32 $_size__tile_overlayer_lowered;
	s5 =	simm.s32 $_tile_overlayer_lowered  }
0x9b: {  	s22 =	simm.s32 $0x1BFF;
	s21 =	sshll.u32 s5, $0x1;
	s2 =	sadd.s32 s19, s18  }
0x9c: {  	s6 =	simm.s32 $0x0;
	s20 =	sshll.u32 s4, $0x1;
	s4 =	sadd.s32 s21, s2  }
0x9d: {  	[timem:s6], [sflag:s22] =	dma.local [hbm:s4], s20  }
0x9e: {  	_ =	swait.ge [sflag:s22], s20  }
0x9f: {  	s3 =	ssub.s32 $0x0, s20;
	[sflag:s22] =	ssyncset.done $0x0  }
0xa0: {  	[sflag:s22] =	ssyncadd.s32 s3;
	_ =	sdelay $0x1  }
0xa1: {  	s23 =	simm.s32 $0x1B8B  }
0xa2: {  	_ =	swait.ge [sflag:s23], $0x1  }
0xa3: {  	[sflag:s23] =	ssyncset.done $0x0  }
0xa4: {  	s25 =	simm.s32 $0x1B8E;
	s24 =	sld [smem:$0x3FFE];
	[sflag:s23] =	ssyncadd.s32 $0xFFFFFFFF  }
0xa5: {  	s26 =	simm.s32 $execute0_lowered;
	[smem:$0x3FD2] =	sst s25  }
0xa6: {  	s4 =	sshll.u32 s26, $0x1;
	_ =	strace $0x80000046;
	[dreg:$0x1] =	wrdreg $0xFFFFFFFF  }
0xa7: {  	s28 =	simm.s32 $_size_execute0_lowered;
	s2 =	sadd.s32 s2, s4;
	[dreg:$0x0] =	wrdreg $0x0  }
0xa8: {  	s4 =	sshll.u32 s28, $0x1;
	[dreg:$0x2] =	wrdreg s2  }
0xa9: {  	[dreg:$0x3] =	wrdreg s4  }
0xaa: {  	[dreg:$0x4] =	wrdreg $0xC0  }
0xab: {  	_ =	task [dreg:s6], $0x5FFFF  }
0xac: {  	[dreg:$0x1] =	wrdreg $0xFFFFFFFF  }
0xad: {  	[dreg:$0x0] =	wrdreg $0x60  }
0xae: {  	[dreg:$0x2] =	wrdreg s24  }
0xaf: {  	[dreg:$0x3] =	wrdreg $0x14800  }
0xb0: {  	[dreg:$0x4] =	wrdreg $0x9  }
0xb1: {  	_ =	task.clear_ibuf [dreg:s6], $0x5FFFF;
	_ =	strace $0x90000046  }
0xb2: {  	s29 =	simm.s32 $0x9;
	_ =	strace $0x80000048  }
0xb3: {  	_ =	swait.ge [sflag:s29], $0x1  }
0xb4: {  	[sflag:s29] =	ssyncadd.s32 $0xFFFFFFFF  }
0xb5: {  	_ =	strace $0x90000048  }
0xb6: {  	_ =	sfence  }
0xb7: {  	s30 =	sld [smem:$0x0];
	_ =	sdelay $0x2  }
0xb8: {  	s31 =	sshll.u32 s1, $0xD;
	s1 =	sshrl.u32 s1, $0x2  }
0xb9: {  	s3 =	sand.u32 $0x4000, s31;
	s1 =	sadd.s32 s1, s30  }
0xba: {  	s0 =	sor.u32 s3, s0;
	s1 =	sshll.u32 s1, $0x11  }
0xbb: {  	s0 =	sor.u32 s1, s0  }
0xbc: {  	s0 =	sadd.s32 $0x8F2B, s0  }
0xbd: {  	[sflag:s0] =	ssyncadd.remote.s32 $0x1  }
0xbe: {  	_ =	sfence.sel $0xFFFF  }
0xbf: {  	[dreg:$0x0] =	wrdreg $0xFFFFFFFF;
	(pc) =	sbr.abs _section_cstart, $3  }
0xc0: {  	[dreg:$0x1] =	wrdreg $0xFFFFFFFF  }
0xc1: {  	_ =	task.clear_ibuf [dreg:s6], $0x2FFFF;
	_ =	strace $0x9FFFFFFF  }
0xc2: {  	(tm) =	ssettm $0x7FFFFFFF  }
0xc3: {  	_ =	shalt  }
tec
execute0_lowered:
.L_overlay_start_1:
0x0: {  	(tag) =	ssettag $0x1  }
0x1: {  	s1 =	srdreg.scid;
	s5 =	rddreg [dreg:$0x0]  }
0x2: {  	s0 =	stileid.u32;
	s2 =	rddreg [dreg:$0x1];
	s3 =	simm.s32 $0x0  }
0x3: {  	s12 =	simm.s32 $0x1400;
	s13 =	simm.s32 $0x20;
	s14 =	simm.s32 $0x10  }
0x4: {  	s15 =	simm.s32 $0x0;
	s4 =	sand.u32 $0x1, s1;
	s7 =	smul.u32 $0x500, s0  }
0x5: {  	s28 =	sshll.u32 s0, $0x1;
	[smem:$0x7FF] =	sst s3;
	s8 =	smul.u32 $0x280, s0  }
0x6: {  	s31 =	sshll.u32 s0, $0x6;
	s1 =	sor.u32 s4, s28;
	s9 =	sshll.u32 s4, $0x7  }
0x7: {  	s4 =	ssub.s32 $0x2, s4;
	s6 =	smul.u32 $0x280, s1;
	s1 =	rddreg [dreg:$0x2]  }
0x8: {  	_ =	strace $0x80000047;
	s7 =	sor.u32 s9, s7;
	s29 =	sshrl.u32 s8, $0x3  }
0x9: {  	s30 =	sshrl.u32 s4, $0x1;
	s11 =	sadd.s32 s8, s2;
	s7 =	sshrl.u32 s7, $0x3  }
0xa: {  	s9 =	sadd.s32 s29, s5;
	s10 =	ssub.s32 s4, s30;
	s6 =	sadd.s32 s6, s5  }
0xb: {  	s7 =	sadd.s32 s7, s5;
	s4 =	sadd.s32 $0x7200, s9;
	s5 =	sor.u32 $0x1C01, s31  }
0xc: {  	s8 =	smax.u32 s10, $0x1;
	s9 =	sshrl.u32 s11, $0x3;
	s10 =	simm.s32 $0x1  }
0xd: {  	v0 =	vimm.f32 $1.000000000e+00;
	s11 =	simm.s32 $0x80;
	s6 =	sadd.s32 $0x2200, s6;
	s7 =	sadd.s32 $0x7800, s7  }
.LBB2_1:
0xe: {  	[spmem:s9], [sflag:s5] =	dma.local [hbm:s4], $0x50  }
0xf: {  	_ =	swait.ge [sflag:s10], $0x50  }
0x10: {  	[sflag:s10] =	ssyncset.done $0x0  }
0x11: {  	[sflag:s10] =	ssyncadd.s32 $0xFFFFFFB0  }
0x12: {  	[tilespmem:$0x1400] =	vst v0  }
0x13: {  	[tilespmem:$0x1410] =	vst v0  }
0x14: {  	[tilespmem:$0x1420] =	vst v0  }
0x15: {  	[tilespmem:$0x1430] =	vst v0  }
0x16: {  	[tilespmem:$0x1440] =	vst v0  }
0x17: {  	[tilespmem:$0x1450] =	vst v0  }
0x18: {  	[tilespmem:$0x1460] =	vst v0  }
0x19: {  	[tilespmem:$0x1470] =	vst v0  }
0x1a: {  	[tilespmem:s3], [sflag:$0x1] =	stream.linear.gather [hbm4b:s6+s3], $0x1400, $0x38;
	[tilespmem:$0x1700] =	vst v63  }
0x1b: {  	_ =	swait.ge [sflag:s10], $0x1400  }
0x1c: {  	[sflag:s10] =	ssyncset.done $0x0  }
0x1d: {  	[sflag:s10] =	ssyncadd.s32 $0xFFFFEC00  }
0x1e: {  	s16 =	simm.s32 $0x0;
	[bflag:$0x0] =	sbarrier.arrive $0xFFFF  }
0x1f: {  	[spmem:s2] =	stream.indirect.scatter.add.f32 [tilespmem:s12], [sflag:$0x1], $0x1, s16, s11, $0xb8;
	[tilespmem:$0x1700] =	vst v63  }
0x20: {  	_ =	swait.ge [sflag:s10], $0x80  }
0x21: {  	s16 =	simm.s32 $0x200;
	[sflag:s10] =	ssyncset.done $0x0  }
.LBB2_2:
0x22: {  	s17 =	sshra.s32 s16, $0x2;
	[sflag:s10] =	ssyncadd.s32 $0xFFFFFF80;
	p0 =	sne.s32 s16, $0x4E00  }
0x23: {  	[spmem:s2] =	stream.indirect.scatter.add.f32 [tilespmem:s12], [sflag:$0x1], $0x1, s17, s11, $0xb8;
	[tilespmem:$0x1700] =	vst v63  }
.Ltmp0:
0x24: {  	_ = 	snop;
	(pc) =	sbr.rel @p0 .LBB2_2-.Ltmp0, $4  }
0x25: {  	_ = 	snop  }
0x26: {  	s16 =	sadd.s32 $0x200, s16  }
0x27: {  	_ =	swait.ge [sflag:s10], $0x80  }
0x28: {  	[sflag:s10] =	ssyncset.done $0x0  }
0x29: {  	s15 =	sadd.s32 $0x1, s15  }
0x2a: {  	[sflag:s10] =	ssyncadd.s32 $0xFFFFFF80;
	p0 =	sne.s32 s15, s8  }
.Ltmp1:
0x2b: {  	[bflag:$0x0] =	sbarrier.arrive $0xFFFF;
	(pc) =	sbr.rel @p0 .LBB2_1-.Ltmp1, $4  }
0x2c: {  	[hbm:s7@s13], [sflag:s5] =	dma.strided [spmem:s9@s14], $0x50, s10, $0x10   }
0x2d: {  	_ =	swait.ge [sflag:s10], $0x50  }
0x2e: {  	[sflag:s10] =	ssyncset.done $0x0  }
0x2f: {  	[sflag:s10] =	ssyncadd.s32 $0xFFFFFFB0  }
0x30: {  	_ =	sfence.sel $0x180000  }
0x31: {  	[bflag:$0x0] =	sbarrier.arrive $0xFFFF  }
0x32: {  	p0 =	sne.s32 s0, $0x0;
	_ =	strace $0x90000047  }
0x33: {  	s0 =	sadd.s32 @!p0 $0x100000, s1;
	[bflag:$0x2] =	sbarrier.arrive $0xFFFF  }
0x34: {  	[sflag:s0] =	ssyncadd.tile.s32 @!p0 $0x1;
	_ =	shalt  }
.Lfunc_end2:
_tile_overlayer_lowered:
.L_overlay_start_2:
0x35: {  	(tag) =	ssettag $0x2  }
0x36: {  	s0 =	rddreg [dreg:$0x0];
	s2 =	stileid.u32  }
0x37: {  	s1 =	rddreg [dreg:$0x1];
	p0 =	sne.s32 s2, $0x0  }
0x38: {  	s3 =	rddreg [dreg:$0x2];
	[bflag:$0x3] =	sbarrier.arrive $0xFFFF;
	s2 =	simm.s32 @!p0 $0x1C01  }
0x39: {  	[timem:s3], [sflag:s2] =	dma.local @!p0 [hbm:s0], s1  }
0x3a: {  	s0 =	simm.s32 @!p0 $0x1  }
0x3b: {  	_ =	swait.ge @!p0 [sflag:s0], s1  }
0x3c: {  	s1 =	ssub.s32 @!p0 $0x0, s1;
	[sflag:s0] =	ssyncset.done @!p0 $0x0  }
0x3d: {  	[sflag:s0] =	ssyncadd.s32 @!p0 s1  }
0x3e: {  	[bflag:$0x3] =	sbarrier.arrive $0xFFFF  }
0x3f: {  	_ =	shalt  }

// kernel: kernel.9.cloned.1.call-start
scs
__scs_entry_jumppad:
0x0: {  	(pc) =	sbr.rel $0x88, $3  }
0x1: {  	(tag) =	ssettag $0x0;
	lr =	simm.s32 $0x1  }
0x2: {  	[smem:$0x3F99] =	sst lr;
	_ =	strace $0xD0000000  }
0x3: {  	_ = 	snop  }
0x4: {  	_ = 	snop  }
0x5: {  	_ = 	snop  }
0x6: {  	_ = 	snop  }
0x7: {  	_ = 	snop  }
__scs_overlays_trampoline_lowered:
0x8: {  	[smem:$0x3FA8] =	sst s0  }
0x9: {  	[smem:$0x3FA9] =	sst s1  }
0xa: {  	[smem:$0x3FAA] =	sst s2  }
0xb: {  	[smem:$0x3FAB] =	sst s3  }
0xc: {  	[smem:$0x3FAC] =	sst s4  }
0xd: {  	[smem:$0x3FAD] =	sst s5  }
0xe: {  	[smem:$0x3FAE] =	sst s6  }
0xf: {  	[smem:$0x3FAF] =	sst s7  }
0x10: {  	[smem:$0x3FB0] =	sst s8  }
0x11: {  	[smem:$0x3FB1] =	sst s9;
	s0 =	simm.s32 @!p0 $0x0  }
0x12: {  	s1 =	sld [smem:$0x3F97];
	s0 =	simm.s32 @p0 $0x1  }
0x13: {  	[smem:$0x3FB2] =	sst s0;
	s0 =	simm.s32 @!p1 $0x0  }
0x14: {  	s2 =	sld [smem:$0x3F96];
	s0 =	simm.s32 @p1 $0x1  }
0x15: {  	[smem:$0x3FB3] =	sst s0;
	s0 =	simm.s32 @!p2 $0x0  }
0x16: {  	s3 =	sld [smem:$0x3FDB];
	s0 =	simm.s32 @p2 $0x1  }
0x17: {  	s4 =	simm.s32 $0x1BF5;
	[smem:$0x3FB5] =	sst s0  }
0x18: {  	s0 =	sld [smem:$0x3F98];
	_ =	swait.ge [sflag:s4], $0x0  }
0x19: {  	s7 =	sld [smem:$0x3F99]  }
0x1a: {  	s8 =	sadd.s32 $0xFFFFE003, lr  }
0x1b: {  	s9 =	sadd.s32 $0xFFFFFEF7, lr;
	s5 =	simm.s32 $0xFFFFFFFF;
	p2 =	slt.u32 s8, $0xFFFFF086  }
0x1c: {  	p1 =	slt.u32 s9, $0xF7A;
	s5 =	simm.s32 @!p2 $0x0  }
0x1d: {  	s5 =	simm.s32 @p1 $0x1;
	p0 =	seq.s32 s7, s2  }
0x1e: {  	s7 =	smul.u32 @!p0 $0xF7A, s2;
	p2 =	seq.s32 @!p0 s5, $0x0  }
0x1f: {  	s9 =	smul.u32 $0xF7A, s1;
	s8 =	simm.s32 @!p0 $0x1BF5;
	p2 =	por !p2, p0  }
0x20: {  	[sflag:s8] =	ssyncset.s32 @!p0 $0xFFFFF086;
	s6 =	sadd.s32 @!p0 s3, s7;
	s7 =	simm.s32 @!p0 $0x108  }
0x21: {  	s3 =	sadd.s32 s3, s9;
	s6 =	sadd.s32 @!p0 $0x88, s6;
	s7 =	simm.s32 @p2 $0x1082  }
0x22: {  	[simem:s7], [sflag:s8] =	dma.local @!p0 [hbm:s6], $0xF7A  }
0x23: {  	s9 =	sor.u32 $0xD0000000, s2;
	s6 =	simm.s32 $0x108;
	_ =	swait.ge @!p0 [sflag:s8], $0x0  }
0x24: {  	s3 =	sadd.s32 $0x88, s3;
	s6 =	simm.s32 @!p1 $0x1082;
	[sflag:s4] =	ssyncset.s32 $0xFFFFF086  }
0x25: {  	[simem:s6], [sflag:s4] =	dma.local [hbm:s3], $0xF7A  }
0x26: {  	[smem:$0x3F99] =	sst s1;
	(tag) =	ssettag s2;
	_ =	strace s9  }
0x27: {  	s1 =	sld [smem:$0x3FA9]  }
0x28: {  	s2 =	sld [smem:$0x3FAA]  }
0x29: {  	s4 =	sld [smem:$0x3FAC]  }
0x2a: {  	p0 =	seq.s32 s5, $0x0;
	s5 =	sld [smem:$0x3FAD]  }
0x2b: {  	s6 =	sld [smem:$0x3FAE]  }
0x2c: {  	s7 =	sld [smem:$0x3FAF]  }
0x2d: {  	s3 =	simm.s32 $0x108;
	s8 =	sld [smem:$0x3FB0]  }
0x2e: {  	s3 =	simm.s32 @!p0 $0x1082;
	s9 =	sld [smem:$0x3FB1]  }
0x2f: {  	lr =	sadd.s32 s0, s3;
	s0 =	sld [smem:$0x3FA8]  }
0x30: {  	s3 =	sld [smem:$0x3FAB]  }
0x31: {  	[smem:$0x3FB4] =	sst s10  }
0x32: {  	s10 =	sld [smem:$0x3FB2];
	_ =	sdelay $0x3  }
0x33: {  	p0 =	seq.s32 s10, $0x1;
	s10 =	sld [smem:$0x3FB4];
	_ =	sdelay $0x3  }
0x34: {  	[smem:$0x3FB4] =	sst s10  }
0x35: {  	s10 =	sld [smem:$0x3FB3];
	_ =	sdelay $0x3  }
0x36: {  	p1 =	seq.s32 s10, $0x1;
	s10 =	sld [smem:$0x3FB4];
	_ =	sdelay $0x3  }
0x37: {  	[smem:$0x3FB4] =	sst s10  }
0x38: {  	s10 =	sld [smem:$0x3FB5]  }
0x39: {  	_ = 	snop;
	(pc) =	sbr.ind lr, $3  }
0x3a: {  	_ = 	snop  }
0x3b: {  	_ = 	snop  }
0x3c: {  	p2 =	seq.s32 s10, $0x1;
	s10 =	sld [smem:$0x3FB4]  }
0x3d: {  	_ =	shalt  }
0x3e: {  	_ =	shalt  }
0x3f: {  	_ =	shalt  }
0x40: {  	_ =	shalt  }
0x41: {  	_ =	shalt  }
0x42: {  	_ =	shalt  }
0x43: {  	_ =	shalt  }
0x44: {  	_ =	shalt  }
0x45: {  	_ =	shalt  }
0x46: {  	_ =	shalt  }
0x47: {  	_ =	shalt  }
0x48: {  	_ =	shalt  }
0x49: {  	_ =	shalt  }
0x4a: {  	_ =	shalt  }
0x4b: {  	_ =	shalt  }
0x4c: {  	_ =	shalt  }
0x4d: {  	_ =	shalt  }
0x4e: {  	_ =	shalt  }
0x4f: {  	_ =	shalt  }
0x50: {  	_ =	shalt  }
0x51: {  	_ =	shalt  }
0x52: {  	_ =	shalt  }
0x53: {  	_ =	shalt  }
0x54: {  	_ =	shalt  }
0x55: {  	_ =	shalt  }
0x56: {  	_ =	shalt  }
0x57: {  	_ =	shalt  }
0x58: {  	_ =	shalt  }
0x59: {  	_ =	shalt  }
0x5a: {  	_ =	shalt  }
0x5b: {  	_ =	shalt  }
0x5c: {  	_ =	shalt  }
0x5d: {  	_ =	shalt  }
0x5e: {  	_ =	shalt  }
0x5f: {  	_ =	shalt  }
0x60: {  	_ =	shalt  }
0x61: {  	_ =	shalt  }
0x62: {  	_ =	shalt  }
0x63: {  	_ =	shalt  }
0x64: {  	_ =	shalt  }
0x65: {  	_ =	shalt  }
0x66: {  	_ =	shalt  }
0x67: {  	_ =	shalt  }
0x68: {  	_ =	shalt  }
0x69: {  	_ =	shalt  }
0x6a: {  	_ =	shalt  }
0x6b: {  	_ =	shalt  }
0x6c: {  	_ =	shalt  }
0x6d: {  	_ =	shalt  }
0x6e: {  	_ =	shalt  }
0x6f: {  	_ =	shalt  }
0x70: {  	_ =	shalt  }
0x71: {  	_ =	shalt  }
0x72: {  	_ =	shalt  }
0x73: {  	_ =	shalt  }
0x74: {  	_ =	shalt  }
0x75: {  	_ =	shalt  }
0x76: {  	_ =	shalt  }
0x77: {  	_ =	shalt  }
0x78: {  	_ =	shalt  }
0x79: {  	_ =	shalt  }
0x7a: {  	_ =	shalt  }
0x7b: {  	_ =	shalt  }
0x7c: {  	_ =	shalt  }
0x7d: {  	_ =	shalt  }
0x7e: {  	_ =	shalt  }
0x7f: {  	_ =	shalt  }
0x80: {  	_ =	shalt  }
0x81: {  	_ =	shalt  }
0x82: {  	_ =	shalt  }
0x83: {  	_ =	shalt  }
0x84: {  	_ =	shalt  }
0x85: {  	_ =	shalt  }
0x86: {  	_ =	shalt  }
0x87: {  	_ =	shalt  }
.Lfunc_end0:
.L_simem_size_0:
called_computation.1_lowered:
.L_overlay_start_0:
0x88: {  	s2 =	sld [smem:$0x3FD9]  }
0x89: {  	s3 =	sld [smem:$0x3FFE];
	_ =	sdelay $0x1  }
0x8a: {  	s1 =	srdreg.scid  }
0x8b: {  	s0 =	sand.u32 $0x1, s1  }
0x8c: {  	s17 =	sshll.u32 s0, $0xA;
	s2 =	sadd.s32 s3, s2  }
0x8d: {  	s2 =	sadd.s32 s2, s17  }
0x8e: {  	[smem:$0x3FC0] =	sst s2  }
0x8f: {  	_ = 	snop  }
0x90: {  	s2 =	sld [smem:$0x3FD0];
	(tm) =	ssettm $0x1  }
0x91: {  	s18 =	sld [smem:$0x3FFB];
	_ =	sdelay $0x3  }
0x92: {  	_ =	strace s18  }
0x93: {  	s3 =	sld [smem:$0x3FFC];
	_ =	sdelay $0x3  }
0x94: {  	_ =	strace s3  }
0x95: {  	s3 =	sld [smem:$0x3FFD];
	_ =	sdelay $0x3  }
0x96: {  	_ =	strace s3  }
0x97: {  	_ =	strace $0x8FFFFFFF  }
0x98: {  	s19 =	sld [smem:$0x3FDB];
	_ =	sdelay $0x1  }
0x99: {  	s4 =	simm.s32 $_scs_section_size  }
0x9a: {  	s5 =	simm.s32 $_size__tile_overlayer_lowered;
	s6 =	simm.s32 $_tile_overlayer_lowered  }
0x9b: {  	s22 =	simm.s32 $0x1BFF;
	s21 =	sshll.u32 s6, $0x1;
	s3 =	sadd.s32 s4, s19  }
0x9c: {  	s7 =	simm.s32 $0x0;
	s20 =	sshll.u32 s5, $0x1;
	s5 =	sadd.s32 s21, s3  }
0x9d: {  	[timem:s7], [sflag:s22] =	dma.local [hbm:s5], s20  }
0x9e: {  	_ =	swait.ge [sflag:s22], s20  }
0x9f: {  	s4 =	ssub.s32 $0x0, s20;
	[sflag:s22] =	ssyncset.done $0x0  }
0xa0: {  	[sflag:s22] =	ssyncadd.s32 s4;
	_ =	sdelay $0x1  }
0xa1: {  	s23 =	simm.s32 $0x1B8B  }
0xa2: {  	_ =	swait.ge [sflag:s23], $0x1  }
0xa3: {  	[sflag:s23] =	ssyncset.done $0x0  }
0xa4: {  	s25 =	simm.s32 $0x1B8E;
	s24 =	sld [smem:$0x3FFE];
	[sflag:s23] =	ssyncadd.s32 $0xFFFFFFFF  }
0xa5: {  	s26 =	simm.s32 $execute0_lowered;
	[smem:$0x3FD2] =	sst s25  }
0xa6: {  	s5 =	sshll.u32 s26, $0x1;
	_ =	strace $0x80000049;
	[dreg:$0x1] =	wrdreg $0xFFFFFFFF  }
0xa7: {  	s28 =	simm.s32 $_size_execute0_lowered;
	s3 =	sadd.s32 s3, s5;
	[dreg:$0x0] =	wrdreg $0x0  }
0xa8: {  	s5 =	sshll.u32 s28, $0x1;
	[dreg:$0x2] =	wrdreg s3  }
0xa9: {  	[dreg:$0x3] =	wrdreg s5  }
0xaa: {  	[dreg:$0x4] =	wrdreg $0xC0  }
0xab: {  	_ =	task [dreg:s7], $0x5FFFF  }
0xac: {  	[dreg:$0x1] =	wrdreg $0xFFFFFFFF  }
0xad: {  	[dreg:$0x0] =	wrdreg $0x60  }
0xae: {  	[dreg:$0x2] =	wrdreg s24  }
0xaf: {  	[dreg:$0x3] =	wrdreg s2  }
0xb0: {  	[dreg:$0x4] =	wrdreg $0xA8000  }
0xb1: {  	[dreg:$0x5] =	wrdreg $0x9  }
0xb2: {  	_ =	task.clear_ibuf [dreg:s7], $0x6FFFF;
	_ =	strace $0x90000049  }
0xb3: {  	s29 =	simm.s32 $0x9;
	_ =	strace $0x8000004B  }
0xb4: {  	_ =	swait.ge [sflag:s29], $0x1  }
0xb5: {  	[sflag:s29] =	ssyncadd.s32 $0xFFFFFFFF  }
0xb6: {  	_ =	strace $0x9000004B  }
0xb7: {  	_ =	sfence  }
0xb8: {  	s30 =	sld [smem:$0x0];
	_ =	sdelay $0x2  }
0xb9: {  	s31 =	sshll.u32 s1, $0xD;
	s1 =	sshrl.u32 s1, $0x2  }
0xba: {  	s3 =	sand.u32 $0x4000, s31;
	s1 =	sadd.s32 s1, s30  }
0xbb: {  	s0 =	sor.u32 s3, s0;
	s1 =	sshll.u32 s1, $0x11  }
0xbc: {  	s0 =	sor.u32 s1, s0  }
0xbd: {  	s0 =	sadd.s32 $0x8F2B, s0  }
0xbe: {  	[sflag:s0] =	ssyncadd.remote.s32 $0x1  }
0xbf: {  	_ =	sfence.sel $0xFFFF  }
0xc0: {  	[dreg:$0x0] =	wrdreg $0xFFFFFFFF;
	(pc) =	sbr.abs _section_cstart, $3  }
0xc1: {  	[dreg:$0x1] =	wrdreg $0xFFFFFFFF  }
0xc2: {  	_ =	task.clear_ibuf [dreg:s7], $0x2FFFF;
	_ =	strace $0x9FFFFFFF  }
0xc3: {  	(tm) =	ssettm $0x7FFFFFFF  }
tec
execute0_lowered:
.L_overlay_start_1:
0x0: {  	(tag) =	ssettag $0x1  }
0x1: {  	s5 =	rddreg [dreg:$0x0]  }
0x2: {  	s6 =	rddreg [dreg:$0x1]  }
0x3: {  	s1 =	rddreg [dreg:$0x2];
	s2 =	srdreg.scid  }
0x4: {  	s0 =	rddreg [dreg:$0x3];
	s3 =	simm.s32 $0x0;
	s15 =	simm.s32 $0x1400  }
0x5: {  	s16 =	simm.s32 $0x80;
	s17 =	simm.s32 $0x2800;
	s18 =	simm.s32 $0x6800  }
0x6: {  	s19 =	simm.s32 $0x1;
	s20 =	simm.s32 $0x2;
	s7 =	sand.u32 $0x1, s2  }
0x7: {  	s21 =	simm.s32 $0x1380;
	s2 =	stileid.u32;
	s8 =	smul.u32 $0x140000, s7  }
0x8: {  	s22 =	simm.s32 $0x2700;
	s23 =	simm.s32 $0x2780;
	s9 =	smul.u32 $0x14000, s2  }
0x9: {  	[smem:$0x7FF] =	sst s3;
	s4 =	sadd.s32 $0x7200, s5;
	s10 =	smul.u32 $0x2800, s2  }
0xa: {  	_ =	strace $0x8000004A;
	s24 =	smul.u32 $0x50000, s2;
	s25 =	ssub.s32 $0x2, s7  }
0xb: {  	s12 =	smul.u32 $0x28000, s7;
	s31 =	sshll.u32 s2, $0x6;
	s7 =	sshrl.u32 s25, $0x1  }
0xc: {  	s8 =	sadd.s32 s9, s8;
	s11 =	sshrl.u32 s10, $0x3;
	s26 =	sshrl.u32 s24, $0x2  }
0xd: {  	s28 =	sadd.s32 s10, s12;
	s29 =	ssub.s32 s25, s7;
	s7 =	sor.u32 $0x1C03, s31  }
0xe: {  	s24 =	simm.s32 $0x0;
	s8 =	sshrl.u32 s8, $0x3;
	s11 =	sadd.s32 s11, s5  }
0xf: {  	s14 =	sadd.s32 s26, s1;
	s30 =	sshrl.u32 s28, $0x3;
	s12 =	smax.u32 s29, $0x1  }
0x10: {  	s13 =	sadd.s32 s8, s5;
	s5 =	sadd.s32 s4, s28;
	s6 =	sadd.s32 s6, s30  }
0x11: {  	s8 =	sadd.s32 $0x2200, s11;
	s10 =	sadd.s32 $0x2480, s11;
	s9 =	sadd.s32 $0x280, s6  }
0x12: {  	s11 =	sadd.s32 $0x57200, s13;
	s13 =	sshrl.u32 s14, $0x3;
	s14 =	simm.s32 $0x3  }
.LBB2_1:
0x13: {  	[spmem:s13], [sflag:s7] =	dma.local [hbm:s5], $0x2800  }
0x14: {  	_ =	swait.ge [sflag:s14], $0x2800  }
0x15: {  	[sflag:s14] =	ssyncset.done $0x0  }
0x16: {  	[sflag:s14] =	ssyncadd.s32 $0xFFFFD800  }
0x17: {  	[bflag:$0x0] =	sbarrier.arrive $0xFFFF  }
0x18: {  	[tilespmem:s3], [sflag:$0x3] =	stream.linear.gather [hbm4b:s6+s3], $0x1400, $0x38;
	[tilespmem:$0x1E800] =	vst v63  }
0x19: {  	_ =	swait.ge [sflag:s14], $0x1400  }
0x1a: {  	[sflag:s14] =	ssyncset.done $0x0  }
0x1b: {  	[sflag:s14] =	ssyncadd.s32 $0xFFFFEC00  }
0x1c: {  	[tilespmem:s15], [sflag:$0x3] =	stream.linear.gather [hbm4b:s8+s3], $0x1400, $0x38;
	[tilespmem:$0x1E800] =	vst v63  }
0x1d: {  	_ =	swait.ge [sflag:s14], $0x1400  }
0x1e: {  	[sflag:s14] =	ssyncset.done $0x0  }
0x1f: {  	[sflag:s14] =	ssyncadd.s32 $0xFFFFEC00  }
0x20: {  	[tilespmem:s17], [sflag:$0x1] =	stream.indirect.gather [hbm4b:s4+s16], $0x80, s3, s16, $0xb8;
	[tilespmem:$0x1E800] =	vst v63  }
0x21: {  	s25 =	simm.s32 $0x80  }
0x22: {  	[tilespmem:s18], [sflag:$0x2] =	stream.indirect.gather [hbm4b:s4+s16], $0x80, s25, s16, $0xb8;
	[tilespmem:$0x1E800] =	vst v63  }
0x23: {  	_ =	swait.ge [sflag:s19], $0x4000  }
0x24: {  	[sflag:s19] =	ssyncset.done $0x0  }
0x25: {  	s29 =	simm.s32 $0x1400;
	[sflag:s19] =	ssyncadd.s32 $0xFFFFC000  }
0x26: {  	[spmem:s1] =	stream.indirect.scatter.add.f32 [tilespmem:s17], [sflag:$0x3], $0x80, s29, s16, $0xb8;
	[tilespmem:$0x1E800] =	vst v63  }
0x27: {  	_ =	swait.ge [sflag:s14], $0x4000  }
0x28: {  	[sflag:s14] =	ssyncset.done $0x0  }
0x29: {  	s30 =	simm.s32 $0x100;
	[sflag:s14] =	ssyncadd.s32 $0xFFFFC000  }
0x2a: {  	[tilespmem:s17], [sflag:$0x1] =	stream.indirect.gather [hbm4b:s4+s16], $0x80, s30, s16, $0xb8;
	[tilespmem:$0x1E800] =	vst v63  }
0x2b: {  	_ =	swait.ge [sflag:s20], $0x4000  }
0x2c: {  	[sflag:s20] =	ssyncset.done $0x0  }
0x2d: {  	s31 =	simm.s32 $0x1480;
	[sflag:s20] =	ssyncadd.s32 $0xFFFFC000  }
0x2e: {  	[spmem:s1] =	stream.indirect.scatter.add.f32 [tilespmem:s18], [sflag:$0x3], $0x80, s31, s16, $0xb8;
	[tilespmem:$0x1E800] =	vst v63  }
0x2f: {  	_ =	swait.ge [sflag:s14], $0x4000  }
0x30: {  	s26 =	simm.s32 $0x800;
	s25 =	simm.s32 $0x100;
	[sflag:s14] =	ssyncset.done $0x0  }
.LBB2_2:
0x31: {  	s28 =	sadd.s32 $0x80, s25  }
0x32: {  	[sflag:s14] =	ssyncadd.s32 $0xFFFFC000;
	s29 =	smov.u32 s26;
	s30 =	sadd.s32 $0x400, s26  }
0x33: {  	[tilespmem:s18], [sflag:$0x2] =	stream.indirect.gather [hbm4b:s4+s16], $0x80, s28, s16, $0xb8;
	[tilespmem:$0x1E800] =	vst v63  }
0x34: {  	p0 =	sne.s32 s26, $0x4800;
	_ =	swait.ge [sflag:s19], $0x4000  }
0x35: {  	[sflag:s19] =	ssyncset.done $0x0  }
0x36: {  	s26 =	sadd.s32 $0x1400, s25;
	[sflag:s19] =	ssyncadd.s32 $0xFFFFC000  }
0x37: {  	[spmem:s1] =	stream.indirect.scatter.add.f32 [tilespmem:s17], [sflag:$0x3], $0x80, s26, s16, $0xb8;
	[tilespmem:$0x1E800] =	vst v63  }
0x38: {  	_ =	swait.ge [sflag:s14], $0x4000  }
0x39: {  	[sflag:s14] =	ssyncset.done $0x0  }
0x3a: {  	s26 =	sadd.s32 $0x100, s25;
	[sflag:s14] =	ssyncadd.s32 $0xFFFFC000  }
0x3b: {  	[tilespmem:s17], [sflag:$0x1] =	stream.indirect.gather [hbm4b:s4+s16], $0x80, s26, s16, $0xb8;
	[tilespmem:$0x1E800] =	vst v63  }
0x3c: {  	_ =	swait.ge [sflag:s20], $0x4000  }
.Ltmp0:
0x3d: {  	[sflag:s20] =	ssyncset.done $0x0;
	(pc) =	sbr.rel @p0 .LBB2_2-.Ltmp0, $4  }
0x3e: {  	s25 =	sadd.s32 $0x1480, s25;
	[sflag:s20] =	ssyncadd.s32 $0xFFFFC000  }
0x3f: {  	[spmem:s1] =	stream.indirect.scatter.add.f32 [tilespmem:s18], [sflag:$0x3], $0x80, s25, s16, $0xb8;
	[tilespmem:$0x1E800] =	vst v63  }
0x40: {  	_ =	swait.ge [sflag:s14], $0x4000  }
0x41: {  	s26 =	smov.u32 s30;
	s25 =	sshra.s32 s29, $0x2;
	[sflag:s14] =	ssyncset.done $0x0  }
0x42: {  	s26 =	sadd.s32 $0x80, s25;
	[sflag:s14] =	ssyncadd.s32 $0xFFFFC000  }
0x43: {  	[tilespmem:s18], [sflag:$0x2] =	stream.indirect.gather [hbm4b:s4+s16], $0x80, s26, s16, $0xb8;
	[tilespmem:$0x1E800] =	vst v63  }
0x44: {  	_ =	swait.ge [sflag:s19], $0x4000  }
0x45: {  	[sflag:s19] =	ssyncset.done $0x0  }
0x46: {  	s29 =	sadd.s32 $0x1400, s25;
	[sflag:s19] =	ssyncadd.s32 $0xFFFFC000  }
0x47: {  	[spmem:s1] =	stream.indirect.scatter.add.f32 [tilespmem:s17], [sflag:$0x3], $0x80, s29, s16, $0xb8;
	[tilespmem:$0x1E800] =	vst v63  }
0x48: {  	_ =	swait.ge [sflag:s14], $0x4000  }
0x49: {  	[sflag:s14] =	ssyncset.done $0x0  }
0x4a: {  	s30 =	sadd.s32 $0x100, s25;
	[sflag:s14] =	ssyncadd.s32 $0xFFFFC000  }
0x4b: {  	[tilespmem:s17], [sflag:$0x1] =	stream.indirect.gather [hbm4b:s4+s16], $0x80, s30, s16, $0xb8;
	[tilespmem:$0x1E800] =	vst v63  }
0x4c: {  	_ =	swait.ge [sflag:s20], $0x4000  }
0x4d: {  	[sflag:s20] =	ssyncset.done $0x0  }
0x4e: {  	s31 =	sadd.s32 $0x1480, s25;
	[sflag:s20] =	ssyncadd.s32 $0xFFFFC000  }
0x4f: {  	[spmem:s1] =	stream.indirect.scatter.add.f32 [tilespmem:s18], [sflag:$0x3], $0x80, s31, s16, $0xb8;
	[tilespmem:$0x1E800] =	vst v63  }
0x50: {  	_ =	swait.ge [sflag:s14], $0x4000  }
0x51: {  	[sflag:s14] =	ssyncset.done $0x0  }
0x52: {  	[sflag:s14] =	ssyncadd.s32 $0xFFFFC000  }
0x53: {  	[tilespmem:s18], [sflag:$0x2] =	stream.indirect.gather [hbm4b:s4+s16], $0x80, s21, s16, $0xb8;
	[tilespmem:$0x1E800] =	vst v63  }
0x54: {  	_ =	swait.ge [sflag:s19], $0x4000  }
0x55: {  	[sflag:s19] =	ssyncset.done $0x0  }
0x56: {  	[sflag:s19] =	ssyncadd.s32 $0xFFFFC000  }
0x57: {  	[spmem:s1] =	stream.indirect.scatter.add.f32 [tilespmem:s17], [sflag:$0x3], $0x80, s22, s16, $0xb8;
	[tilespmem:$0x1E800] =	vst v63  }
0x58: {  	_ =	swait.ge [sflag:s14], $0x4000  }
0x59: {  	[sflag:s14] =	ssyncset.done $0x0  }
0x5a: {  	[sflag:s14] =	ssyncadd.s32 $0xFFFFC000  }
0x5b: {  	_ =	swait.ge [sflag:s20], $0x4000  }
0x5c: {  	[sflag:s20] =	ssyncset.done $0x0  }
0x5d: {  	[sflag:s20] =	ssyncadd.s32 $0xFFFFC000  }
0x5e: {  	[spmem:s1] =	stream.indirect.scatter.add.f32 [tilespmem:s18], [sflag:$0x3], $0x80, s23, s16, $0xb8;
	[tilespmem:$0x1E800] =	vst v63  }
0x5f: {  	_ =	swait.ge [sflag:s14], $0x4000  }
0x60: {  	[sflag:s14] =	ssyncset.done $0x0  }
0x61: {  	s26 =	simm.s32 $0x0;
	[sflag:s14] =	ssyncadd.s32 $0xFFFFC000  }
0x62: {  	[tilespmem:s26], [sflag:$0x3] =	stream.linear.gather [hbm4b:s9+s26], $0x1400, $0x38;
	[tilespmem:$0x1E800] =	vst v63  }
0x63: {  	_ =	swait.ge [sflag:s14], $0x1400  }
0x64: {  	[sflag:s14] =	ssyncset.done $0x0  }
0x65: {  	[sflag:s14] =	ssyncadd.s32 $0xFFFFEC00  }
0x66: {  	[tilespmem:s15], [sflag:$0x3] =	stream.linear.gather [hbm4b:s10+s26], $0x1400, $0x38;
	[tilespmem:$0x1E800] =	vst v63  }
0x67: {  	_ =	swait.ge [sflag:s14], $0x1400  }
0x68: {  	[sflag:s14] =	ssyncset.done $0x0  }
0x69: {  	[sflag:s14] =	ssyncadd.s32 $0xFFFFEC00  }
0x6a: {  	[tilespmem:s17], [sflag:$0x1] =	stream.indirect.gather [hbm4b:s4+s16], $0x80, s26, s16, $0xb8;
	[tilespmem:$0x1E800] =	vst v63  }
0x6b: {  	s28 =	simm.s32 $0x80  }
0x6c: {  	[tilespmem:s18], [sflag:$0x2] =	stream.indirect.gather [hbm4b:s4+s16], $0x80, s28, s16, $0xb8;
	[tilespmem:$0x1E800] =	vst v63  }
0x6d: {  	_ =	swait.ge [sflag:s19], $0x4000  }
0x6e: {  	[sflag:s19] =	ssyncset.done $0x0  }
0x6f: {  	s29 =	simm.s32 $0x1400;
	[sflag:s19] =	ssyncadd.s32 $0xFFFFC000  }
0x70: {  	[spmem:s1] =	stream.indirect.scatter.add.f32 [tilespmem:s17], [sflag:$0x3], $0x80, s29, s16, $0xb8;
	[tilespmem:$0x1E800] =	vst v63  }
0x71: {  	_ =	swait.ge [sflag:s14], $0x4000  }
0x72: {  	[sflag:s14] =	ssyncset.done $0x0  }
0x73: {  	s30 =	simm.s32 $0x100;
	[sflag:s14] =	ssyncadd.s32 $0xFFFFC000  }
0x74: {  	[tilespmem:s17], [sflag:$0x1] =	stream.indirect.gather [hbm4b:s4+s16], $0x80, s30, s16, $0xb8;
	[tilespmem:$0x1E800] =	vst v63  }
0x75: {  	_ =	swait.ge [sflag:s20], $0x4000  }
0x76: {  	[sflag:s20] =	ssyncset.done $0x0  }
0x77: {  	s31 =	simm.s32 $0x1480;
	[sflag:s20] =	ssyncadd.s32 $0xFFFFC000  }
0x78: {  	[spmem:s1] =	stream.indirect.scatter.add.f32 [tilespmem:s18], [sflag:$0x3], $0x80, s31, s16, $0xb8;
	[tilespmem:$0x1E800] =	vst v63  }
0x79: {  	_ =	swait.ge [sflag:s14], $0x4000  }
0x7a: {  	s25 =	simm.s32 $0x100;
	s26 =	simm.s32 $0x800;
	[sflag:s14] =	ssyncset.done $0x0  }
.LBB2_4:
0x7b: {  	s28 =	sadd.s32 $0x80, s25  }
0x7c: {  	[sflag:s14] =	ssyncadd.s32 $0xFFFFC000;
	s29 =	smov.u32 s26;
	s30 =	sadd.s32 $0x400, s26  }
0x7d: {  	[tilespmem:s18], [sflag:$0x2] =	stream.indirect.gather [hbm4b:s4+s16], $0x80, s28, s16, $0xb8;
	[tilespmem:$0x1E800] =	vst v63  }
0x7e: {  	p0 =	sne.s32 s26, $0x4800;
	_ =	swait.ge [sflag:s19], $0x4000  }
0x7f: {  	[sflag:s19] =	ssyncset.done $0x0  }
0x80: {  	s26 =	sadd.s32 $0x1400, s25;
	[sflag:s19] =	ssyncadd.s32 $0xFFFFC000  }
0x81: {  	[spmem:s1] =	stream.indirect.scatter.add.f32 [tilespmem:s17], [sflag:$0x3], $0x80, s26, s16, $0xb8;
	[tilespmem:$0x1E800] =	vst v63  }
0x82: {  	_ =	swait.ge [sflag:s14], $0x4000  }
0x83: {  	[sflag:s14] =	ssyncset.done $0x0  }
0x84: {  	s26 =	sadd.s32 $0x100, s25;
	[sflag:s14] =	ssyncadd.s32 $0xFFFFC000  }
0x85: {  	[tilespmem:s17], [sflag:$0x1] =	stream.indirect.gather [hbm4b:s4+s16], $0x80, s26, s16, $0xb8;
	[tilespmem:$0x1E800] =	vst v63  }
0x86: {  	_ =	swait.ge [sflag:s20], $0x4000  }
.Ltmp1:
0x87: {  	[sflag:s20] =	ssyncset.done $0x0;
	(pc) =	sbr.rel @p0 .LBB2_4-.Ltmp1, $4  }
0x88: {  	s25 =	sadd.s32 $0x1480, s25;
	[sflag:s20] =	ssyncadd.s32 $0xFFFFC000  }
0x89: {  	[spmem:s1] =	stream.indirect.scatter.add.f32 [tilespmem:s18], [sflag:$0x3], $0x80, s25, s16, $0xb8;
	[tilespmem:$0x1E800] =	vst v63  }
0x8a: {  	_ =	swait.ge [sflag:s14], $0x4000  }
0x8b: {  	s26 =	smov.u32 s30;
	s25 =	sshra.s32 s29, $0x2;
	[sflag:s14] =	ssyncset.done $0x0  }
0x8c: {  	s26 =	sadd.s32 $0x80, s25;
	[sflag:s14] =	ssyncadd.s32 $0xFFFFC000  }
0x8d: {  	[tilespmem:s18], [sflag:$0x2] =	stream.indirect.gather [hbm4b:s4+s16], $0x80, s26, s16, $0xb8;
	[tilespmem:$0x1E800] =	vst v63  }
0x8e: {  	_ =	swait.ge [sflag:s19], $0x4000  }
0x8f: {  	[sflag:s19] =	ssyncset.done $0x0  }
0x90: {  	s29 =	sadd.s32 $0x1400, s25;
	[sflag:s19] =	ssyncadd.s32 $0xFFFFC000  }
0x91: {  	[spmem:s1] =	stream.indirect.scatter.add.f32 [tilespmem:s17], [sflag:$0x3], $0x80, s29, s16, $0xb8;
	[tilespmem:$0x1E800] =	vst v63  }
0x92: {  	_ =	swait.ge [sflag:s14], $0x4000  }
0x93: {  	[sflag:s14] =	ssyncset.done $0x0  }
0x94: {  	s30 =	sadd.s32 $0x100, s25;
	[sflag:s14] =	ssyncadd.s32 $0xFFFFC000  }
0x95: {  	[tilespmem:s17], [sflag:$0x1] =	stream.indirect.gather [hbm4b:s4+s16], $0x80, s30, s16, $0xb8;
	[tilespmem:$0x1E800] =	vst v63  }
0x96: {  	_ =	swait.ge [sflag:s20], $0x4000  }
0x97: {  	[sflag:s20] =	ssyncset.done $0x0  }
0x98: {  	s31 =	sadd.s32 $0x1480, s25;
	[sflag:s20] =	ssyncadd.s32 $0xFFFFC000  }
0x99: {  	[spmem:s1] =	stream.indirect.scatter.add.f32 [tilespmem:s18], [sflag:$0x3], $0x80, s31, s16, $0xb8;
	[tilespmem:$0x1E800] =	vst v63  }
0x9a: {  	_ =	swait.ge [sflag:s14], $0x4000  }
0x9b: {  	[sflag:s14] =	ssyncset.done $0x0  }
0x9c: {  	[sflag:s14] =	ssyncadd.s32 $0xFFFFC000  }
0x9d: {  	[tilespmem:s18], [sflag:$0x2] =	stream.indirect.gather [hbm4b:s4+s16], $0x80, s21, s16, $0xb8;
	[tilespmem:$0x1E800] =	vst v63  }
0x9e: {  	_ =	swait.ge [sflag:s19], $0x4000  }
0x9f: {  	[sflag:s19] =	ssyncset.done $0x0  }
0xa0: {  	[sflag:s19] =	ssyncadd.s32 $0xFFFFC000  }
0xa1: {  	[spmem:s1] =	stream.indirect.scatter.add.f32 [tilespmem:s17], [sflag:$0x3], $0x80, s22, s16, $0xb8;
	[tilespmem:$0x1E800] =	vst v63  }
0xa2: {  	_ =	swait.ge [sflag:s14], $0x4000  }
0xa3: {  	[sflag:s14] =	ssyncset.done $0x0  }
0xa4: {  	[sflag:s14] =	ssyncadd.s32 $0xFFFFC000  }
0xa5: {  	_ =	swait.ge [sflag:s20], $0x4000  }
0xa6: {  	[sflag:s20] =	ssyncset.done $0x0  }
0xa7: {  	[sflag:s20] =	ssyncadd.s32 $0xFFFFC000  }
0xa8: {  	[spmem:s1] =	stream.indirect.scatter.add.f32 [tilespmem:s18], [sflag:$0x3], $0x80, s23, s16, $0xb8;
	[tilespmem:$0x1E800] =	vst v63  }
0xa9: {  	_ =	swait.ge [sflag:s14], $0x4000  }
0xaa: {  	s24 =	sadd.s32 $0x1, s24;
	[sflag:s14] =	ssyncset.done $0x0  }
0xab: {  	p0 =	sne.s32 s24, s12;
	[sflag:s14] =	ssyncadd.s32 $0xFFFFC000  }
.Ltmp2:
0xac: {  	[bflag:$0x0] =	sbarrier.arrive $0xFFFF;
	(pc) =	sbr.rel @p0 .LBB2_1-.Ltmp2, $4  }
0xad: {  	[hbm:s11], [sflag:s7] =	dma.local [spmem:s13], $0x2800  }
0xae: {  	_ =	swait.ge [sflag:s14], $0x2800  }
0xaf: {  	[sflag:s14] =	ssyncset.done $0x0  }
0xb0: {  	[sflag:s14] =	ssyncadd.s32 $0xFFFFD800  }
0xb1: {  	_ =	sfence.sel $0x180000  }
0xb2: {  	[bflag:$0x0] =	sbarrier.arrive $0xFFFF  }
0xb3: {  	p0 =	sne.s32 s2, $0x0;
	_ =	strace $0x9000004A  }
0xb4: {  	s0 =	sadd.s32 @!p0 $0x100000, s0;
	[bflag:$0x2] =	sbarrier.arrive $0xFFFF  }
0xb5: {  	[sflag:s0] =	ssyncadd.tile.s32 @!p0 $0x1;
	_ =	shalt  }
.Lfunc_end2:
_tile_overlayer_lowered:
.L_overlay_start_2:
0xb6: {  	(tag) =	ssettag $0x2  }
0xb7: {  	s0 =	rddreg [dreg:$0x0];
	s2 =	stileid.u32  }
0xb8: {  	s1 =	rddreg [dreg:$0x1];
	p0 =	sne.s32 s2, $0x0  }
0xb9: {  	s3 =	rddreg [dreg:$0x2];
	[bflag:$0x3] =	sbarrier.arrive $0xFFFF;
	s2 =	simm.s32 @!p0 $0x1C03  }
0xba: {  	[timem:s3], [sflag:s2] =	dma.local @!p0 [hbm:s0], s1  }
0xbb: {  	s0 =	simm.s32 @!p0 $0x3  }
0xbc: {  	_ =	swait.ge @!p0 [sflag:s0], s1  }
0xbd: {  	s1 =	ssub.s32 @!p0 $0x0, s1;
	[sflag:s0] =	ssyncset.done @!p0 $0x0  }
0xbe: {  	[sflag:s0] =	ssyncadd.s32 @!p0 s1  }
0xbf: {  	[bflag:$0x3] =	sbarrier.arrive $0xFFFF  }
0xc0: {  	_ =	shalt  }

</sc_bundles>
